<compile_context>
chip_gen: v7x
topology: tpu7x:2x2x1
jax: 0.10.2.dev20260603
libtpu: 0.0.44.dev20260713+nightly
codegen_flags: <defaults>
</compile_context>

<pallas_src>
import jax
import jax.numpy as jnp
from jax import lax
from jax.experimental import pallas as pl
from jax.experimental.pallas import tpu as pltpu
from jax.experimental.pallas import tpu_sc as plsc

NC = 2
NS = 16
NW = NC * NS
L = 16

B, S, D = 2, 8192, 4096
NWIN = 64
ROWS_TOTAL = B * S
ROWS_W = ROWS_TOTAL // NW
OUT_W = ROWS_W * NWIN
RB = 8
NCHUNK = ROWS_W // RB


def _sc_window_select(xt, w_hbm, out, w_v, vbuf0, vbuf1, obuf, sem_a, sem_b):
    wid = lax.axis_index("s") * NC + lax.axis_index("c")
    row0 = wid * ROWS_W

    pltpu.sync_copy(w_hbm, w_v)
    wvec = [w_v[pl.ds(t * L, L)] for t in range(4)]

    def dma(k, buf, sem):
        src = xt.at[pl.ds((row0 + k * RB) * D, RB * D)]
        return pltpu.make_async_copy(src, buf, sem)

    def compact(k, buf):
        for r in range(RB):
            for t in range(4):
                vals = plsc.load_gather(buf, [wvec[t] + r * D])
                obuf[pl.ds((k * RB + r) * NWIN + t * L, L)] = vals

    dma(0, vbuf0, sem_a).start()

    def super_round(h, carry):
        k0 = 2 * h
        dma(k0 + 1, vbuf1, sem_b).start()
        dma(k0, vbuf0, sem_a).wait()
        compact(k0, vbuf0)

        @pl.when(h < NCHUNK // 2 - 1)
        def _():
            dma(k0 + 2, vbuf0, sem_a).start()

        dma(k0 + 1, vbuf1, sem_b).wait()
        compact(k0 + 1, vbuf1)
        return carry

    lax.fori_loop(0, NCHUNK // 2, super_round, 0)
    pltpu.sync_copy(obuf, out.at[wid])


@jax.jit
def kernel(x, w):
    xt = x.reshape(B * S * D)
    w32 = w.astype(jnp.int32)
    run = pl.kernel(
        _sc_window_select,
        out_type=jax.ShapeDtypeStruct((NW, OUT_W), jnp.float32),
        mesh=plsc.VectorSubcoreMesh(core_axis_name="c", subcore_axis_name="s"),
        compiler_params=pltpu.CompilerParams(needs_layout_passes=False),
        scratch_types=[
            pltpu.VMEM((NWIN,), jnp.int32),
            pltpu.VMEM((RB * D,), jnp.float32),
            pltpu.VMEM((RB * D,), jnp.float32),
            pltpu.VMEM((OUT_W,), jnp.float32),
            pltpu.SemaphoreType.DMA,
            pltpu.SemaphoreType.DMA,
        ],
    )
    out = run(xt, w32)
    return out.reshape(B, S, NWIN)

# --- scband reference (transcript-rebuilt; emitter-appended) ---
"""Pipeline reference for scband-window-selector-1073741824544 (READ-ONLY COPY).

The authoritative reference and input builder live on the scoring server;
editing this copy changes nothing except your own understanding.
"""

import jax, jax.numpy as jnp
import numpy as np

WINDOW = list(range(0, 4096, 64))  # 64 indices, matches init_kwargs

def setup_inputs(seed: int = 0) -> dict:
    key = jax.random.key(seed)
    x = jax.random.normal(key, (2, 8192, 4096), dtype=jnp.float32)
    w = jnp.asarray(WINDOW, dtype=jnp.int64)
    return {"x": x, "w": w}

def reference(x, w):
    # WindowSelector.forward: return x[..., self.w]
    return jnp.take(x, w, axis=-1)

if __name__ == "__main__":
    import jax
    _d = setup_inputs()
    print(jax.jit(kernel)(*tuple(_d.values())))

</pallas_src>

<mosaic_0001>
#map = affine_map<(d0, d1) -> (0)>
#map1 = affine_map<(d0, d1) -> (0, 0)>
module attributes {stable_mosaic.version = 14 : i64} {
  func.func @_sc_window_select(%arg0: i32, %arg1: i32, %arg2: memref<67108864xf32, #tpu.memory_space<hbm>>, %arg3: memref<64xi32, #tpu.memory_space<hbm>>, %arg4: memref<32x32768xf32, #tpu.memory_space<hbm>>, %arg5: memref<64xi32, #tpu.memory_space<vmem>>, %arg6: memref<32768xf32, #tpu.memory_space<vmem>>, %arg7: memref<32768xf32, #tpu.memory_space<vmem>>, %arg8: memref<32768xf32, #tpu.memory_space<vmem>>, %arg9: memref<!tpu.dma_semaphore, #tpu.memory_space<semaphore_mem>>, %arg10: memref<!tpu.dma_semaphore, #tpu.memory_space<semaphore_mem>>) attributes {dimension_semantics = [#tpu.dimension_semantics<core_parallel>, #tpu.dimension_semantics<subcore_parallel>], iteration_bounds = array<i64: 2, 16>, scalar_prefetch = 0 : i64, scratch_operands = 6 : i64, tpu.core_type = #tpu.core_type<sc_vector_subcore>, window_params = [{transform_indices = #map}, {transform_indices = #map}, {transform_indices = #map1}]} {
    %mul3A = arith.constant 2 : i32
    %mul3A_0 = arith.muli %arg1, %mul3A : i32
    %add3A = arith.addi %mul3A_0, %arg0 : i32
    %mul3A_1 = arith.constant 512 : i32
    %mul3A_2 = arith.muli %add3A, %mul3A_1 : i32
    "tpu.region"() ({
      %run_scoped3A = tpu.sem_alloc : memref<!tpu.dma_semaphore, #tpu.memory_space<semaphore_mem>>
      tpu.enqueue_dma source(%arg3 : memref<64xi32, #tpu.memory_space<hbm>>) target(%arg5 : memref<64xi32, #tpu.memory_space<vmem>>) target_semaphore(%run_scoped3A : memref<!tpu.dma_semaphore, #tpu.memory_space<semaphore_mem>>)
      tpu.wait_dma2 semaphore(%run_scoped3A : memref<!tpu.dma_semaphore, #tpu.memory_space<semaphore_mem>>) src(%arg3 : memref<64xi32, #tpu.memory_space<hbm>>) dst(%arg5 : memref<64xi32, #tpu.memory_space<vmem>>)
      tpu.yield
    }) : () -> ()
    %get3A = arith.constant 0 : index
    %get3A_3 = tpu.vector_load %arg5[%get3A] {strides = array<i32>} : memref<64xi32, #tpu.memory_space<vmem>>, vector<16xi32>,
    %get3A_4 = arith.constant 16 : index
    %get3A_5 = tpu.vector_load %arg5[%get3A_4] {strides = array<i32>} : memref<64xi32, #tpu.memory_space<vmem>>, vector<16xi32>,
    %get3A_6 = arith.constant 32 : index
    %get3A_7 = tpu.vector_load %arg5[%get3A_6] {strides = array<i32>} : memref<64xi32, #tpu.memory_space<vmem>>, vector<16xi32>,
    %get3A_8 = arith.constant 48 : index
    %get3A_9 = tpu.vector_load %arg5[%get3A_8] {strides = array<i32>} : memref<64xi32, #tpu.memory_space<vmem>>, vector<16xi32>,
    %add3A_10 = arith.constant 0 : i32
    %add3A_11 = arith.addi %mul3A_2, %add3A_10 : i32
    %mul3A_12 = arith.constant 4096 : i32
    %mul3A_13 = arith.muli %add3A_11, %mul3A_12 : i32
    %dma_start3A = tpu.memref_slice %arg2[%mul3A_13] : memref<67108864xf32, #tpu.memory_space<hbm>> -> memref<32768xf32, #tpu.memory_space<hbm>>
    %dma_start3A_14 = tpu.memref_slice %arg2[%mul3A_13] : memref<67108864xf32, #tpu.memory_space<hbm>> -> memref<32768xf32, #tpu.memory_space<hbm>>
    tpu.enqueue_dma source(%dma_start3A_14 : memref<32768xf32, #tpu.memory_space<hbm>>) target(%arg6 : memref<32768xf32, #tpu.memory_space<vmem>>) target_semaphore(%arg9 : memref<!tpu.dma_semaphore, #tpu.memory_space<semaphore_mem>>)
    %scan3A = arith.constant 0 : i32
    %scan3A_15 = arith.constant 0 : i32
    %scan3A_16 = arith.constant 32 : i32
    %scan3A_17 = arith.addi %scan3A_15, %scan3A_16 : i32
    %scan3A_18 = arith.constant 1 : i32
    scf.for %scan3A_20 = %scan3A_15 to %scan3A_17 step %scan3A_18  : i32 {
      %mul3A_21 = arith.constant 2 : i32
      %mul3A_22 = arith.muli %mul3A_21, %scan3A_20 : i32
      %add3A_23 = arith.constant 1 : i32
      %add3A_24 = arith.addi %mul3A_22, %add3A_23 : i32
      %mul3A_25 = arith.constant 8 : i32
      %mul3A_26 = arith.muli %add3A_24, %mul3A_25 : i32
      %add3A_27 = arith.addi %mul3A_2, %mul3A_26 : i32
      %mul3A_28 = arith.constant 4096 : i32
      %mul3A_29 = arith.muli %add3A_27, %mul3A_28 : i32
      %dma_start3A_30 = tpu.memref_slice %arg2[%mul3A_29] : memref<67108864xf32, #tpu.memory_space<hbm>> -> memref<32768xf32, #tpu.memory_space<hbm>>
      %dma_start3A_31 = tpu.memref_slice %arg2[%mul3A_29] : memref<67108864xf32, #tpu.memory_space<hbm>> -> memref<32768xf32, #tpu.memory_space<hbm>>
      tpu.enqueue_dma source(%dma_start3A_31 : memref<32768xf32, #tpu.memory_space<hbm>>) target(%arg7 : memref<32768xf32, #tpu.memory_space<vmem>>) target_semaphore(%arg10 : memref<!tpu.dma_semaphore, #tpu.memory_space<semaphore_mem>>)
      %mul3A_32 = arith.constant 8 : i32
      %mul3A_33 = arith.muli %mul3A_22, %mul3A_32 : i32
      %add3A_34 = arith.addi %mul3A_2, %mul3A_33 : i32
      %mul3A_35 = arith.constant 4096 : i32
      %mul3A_36 = arith.muli %add3A_34, %mul3A_35 : i32
      %dma_wait3A = tpu.memref_slice %arg2[%mul3A_36] : memref<67108864xf32, #tpu.memory_space<hbm>> -> memref<32768xf32, #tpu.memory_space<hbm>>
      %dma_wait3A_37 = tpu.memref_slice %arg2[%mul3A_36] : memref<67108864xf32, #tpu.memory_space<hbm>> -> memref<32768xf32, #tpu.memory_space<hbm>>
      tpu.wait_dma2 semaphore(%arg9 : memref<!tpu.dma_semaphore, #tpu.memory_space<semaphore_mem>>) src(%dma_wait3A_37 : memref<32768xf32, #tpu.memory_space<hbm>>) dst(%arg6 : memref<32768xf32, #tpu.memory_space<vmem>>)
      %add3A_38 = arith.constant 0 : i32
      %add3A_39 = vector.broadcast %add3A_38 : i32 to vector<16xi32>
      %add3A_40 = arith.addi %get3A_3, %add3A_39 : vector<16xi32>
      %gather3A = tpu.vector_load_idx %arg6[%add3A_40] : memref<32768xf32, #tpu.memory_space<vmem>>[vector<16xi32>], vector<16xf32>,
      %mul3A_41 = arith.constant 8 : i32
      %mul3A_42 = arith.muli %mul3A_22, %mul3A_41 : i32
      %add3A_43 = arith.constant 0 : i32
      %add3A_44 = arith.addi %mul3A_42, %add3A_43 : i32
      %mul3A_45 = arith.constant 64 : i32
      %mul3A_46 = arith.muli %add3A_44, %mul3A_45 : i32
      %add3A_47 = arith.constant 0 : i32
      %add3A_48 = arith.addi %mul3A_46, %add3A_47 : i32
      %swap3A = arith.index_cast %add3A_48 : i32 to index
      %swap3A_49 = tpu.vector_load %arg8[%swap3A] {strides = array<i32>} : memref<32768xf32, #tpu.memory_space<vmem>>, vector<16xf32>,
      tpu.vector_store %arg8[%swap3A], %gather3A {strides = array<i32>} : memref<32768xf32, #tpu.memory_space<vmem>>, vector<16xf32>,
      %add3A_50 = arith.constant 0 : i32
      %add3A_51 = vector.broadcast %add3A_50 : i32 to vector<16xi32>
      %add3A_52 = arith.addi %get3A_5, %add3A_51 : vector<16xi32>
      %gather3A_53 = tpu.vector_load_idx %arg6[%add3A_52] : memref<32768xf32, #tpu.memory_space<vmem>>[vector<16xi32>], vector<16xf32>,
      %mul3A_54 = arith.constant 8 : i32
      %mul3A_55 = arith.muli %mul3A_22, %mul3A_54 : i32
      %add3A_56 = arith.constant 0 : i32
      %add3A_57 = arith.addi %mul3A_55, %add3A_56 : i32
      %mul3A_58 = arith.constant 64 : i32
      %mul3A_59 = arith.muli %add3A_57, %mul3A_58 : i32
      %add3A_60 = arith.constant 16 : i32
      %add3A_61 = arith.addi %mul3A_59, %add3A_60 : i32
      %swap3A_62 = arith.index_cast %add3A_61 : i32 to index
      %swap3A_63 = tpu.vector_load %arg8[%swap3A_62] {strides = array<i32>} : memref<32768xf32, #tpu.memory_space<vmem>>, vector<16xf32>,
      tpu.vector_store %arg8[%swap3A_62], %gather3A_53 {strides = array<i32>} : memref<32768xf32, #tpu.memory_space<vmem>>, vector<16xf32>,
      %add3A_64 = arith.constant 0 : i32
      %add3A_65 = vector.broadcast %add3A_64 : i32 to vector<16xi32>
      %add3A_66 = arith.addi %get3A_7, %add3A_65 : vector<16xi32>
      %gather3A_67 = tpu.vector_load_idx %arg6[%add3A_66] : memref<32768xf32, #tpu.memory_space<vmem>>[vector<16xi32>], vector<16xf32>,
      %mul3A_68 = arith.constant 8 : i32
      %mul3A_69 = arith.muli %mul3A_22, %mul3A_68 : i32
      %add3A_70 = arith.constant 0 : i32
      %add3A_71 = arith.addi %mul3A_69, %add3A_70 : i32
      %mul3A_72 = arith.constant 64 : i32
      %mul3A_73 = arith.muli %add3A_71, %mul3A_72 : i32
      %add3A_74 = arith.constant 32 : i32
      %add3A_75 = arith.addi %mul3A_73, %add3A_74 : i32
      %swap3A_76 = arith.index_cast %add3A_75 : i32 to index
      %swap3A_77 = tpu.vector_load %arg8[%swap3A_76] {strides = array<i32>} : memref<32768xf32, #tpu.memory_space<vmem>>, vector<16xf32>,
      tpu.vector_store %arg8[%swap3A_76], %gather3A_67 {strides = array<i32>} : memref<32768xf32, #tpu.memory_space<vmem>>, vector<16xf32>,
      %add3A_78 = arith.constant 0 : i32
      %add3A_79 = vector.broadcast %add3A_78 : i32 to vector<16xi32>
      %add3A_80 = arith.addi %get3A_9, %add3A_79 : vector<16xi32>
      %gather3A_81 = tpu.vector_load_idx %arg6[%add3A_80] : memref<32768xf32, #tpu.memory_space<vmem>>[vector<16xi32>], vector<16xf32>,
      %mul3A_82 = arith.constant 8 : i32
      %mul3A_83 = arith.muli %mul3A_22, %mul3A_82 : i32
      %add3A_84 = arith.constant 0 : i32
      %add3A_85 = arith.addi %mul3A_83, %add3A_84 : i32
      %mul3A_86 = arith.constant 64 : i32
      %mul3A_87 = arith.muli %add3A_85, %mul3A_86 : i32
      %add3A_88 = arith.constant 48 : i32
      %add3A_89 = arith.addi %mul3A_87, %add3A_88 : i32
      %swap3A_90 = arith.index_cast %add3A_89 : i32 to index
      %swap3A_91 = tpu.vector_load %arg8[%swap3A_90] {strides = array<i32>} : memref<32768xf32, #tpu.memory_space<vmem>>, vector<16xf32>,
      tpu.vector_store %arg8[%swap3A_90], %gather3A_81 {strides = array<i32>} : memref<32768xf32, #tpu.memory_space<vmem>>, vector<16xf32>,
      %add3A_92 = arith.constant 4096 : i32
      %add3A_93 = vector.broadcast %add3A_92 : i32 to vector<16xi32>
      %add3A_94 = arith.addi %get3A_3, %add3A_93 : vector<16xi32>
      %gather3A_95 = tpu.vector_load_idx %arg6[%add3A_94] : memref<32768xf32, #tpu.memory_space<vmem>>[vector<16xi32>], vector<16xf32>,
      %mul3A_96 = arith.constant 8 : i32
      %mul3A_97 = arith.muli %mul3A_22, %mul3A_96 : i32
      %add3A_98 = arith.constant 1 : i32
      %add3A_99 = arith.addi %mul3A_97, %add3A_98 : i32
      %mul3A_100 = arith.constant 64 : i32
      %mul3A_101 = arith.muli %add3A_99, %mul3A_100 : i32
      %add3A_102 = arith.constant 0 : i32
      %add3A_103 = arith.addi %mul3A_101, %add3A_102 : i32
      %swap3A_104 = arith.index_cast %add3A_103 : i32 to index
      %swap3A_105 = tpu.vector_load %arg8[%swap3A_104] {strides = array<i32>} : memref<32768xf32, #tpu.memory_space<vmem>>, vector<16xf32>,
      tpu.vector_store %arg8[%swap3A_104], %gather3A_95 {strides = array<i32>} : memref<32768xf32, #tpu.memory_space<vmem>>, vector<16xf32>,
      %add3A_106 = arith.constant 4096 : i32
      %add3A_107 = vector.broadcast %add3A_106 : i32 to vector<16xi32>
      %add3A_108 = arith.addi %get3A_5, %add3A_107 : vector<16xi32>
      %gather3A_109 = tpu.vector_load_idx %arg6[%add3A_108] : memref<32768xf32, #tpu.memory_space<vmem>>[vector<16xi32>], vector<16xf32>,
      %mul3A_110 = arith.constant 8 : i32
      %mul3A_111 = arith.muli %mul3A_22, %mul3A_110 : i32
      %add3A_112 = arith.constant 1 : i32
      %add3A_113 = arith.addi %mul3A_111, %add3A_112 : i32
      %mul3A_114 = arith.constant 64 : i32
      %mul3A_115 = arith.muli %add3A_113, %mul3A_114 : i32
      %add3A_116 = arith.constant 16 : i32
      %add3A_117 = arith.addi %mul3A_115, %add3A_116 : i32
      %swap3A_118 = arith.index_cast %add3A_117 : i32 to index
      %swap3A_119 = tpu.vector_load %arg8[%swap3A_118] {strides = array<i32>} : memref<32768xf32, #tpu.memory_space<vmem>>, vector<16xf32>,
      tpu.vector_store %arg8[%swap3A_118], %gather3A_109 {strides = array<i32>} : memref<32768xf32, #tpu.memory_space<vmem>>, vector<16xf32>,
      %add3A_120 = arith.constant 4096 : i32
      %add3A_121 = vector.broadcast %add3A_120 : i32 to vector<16xi32>
      %add3A_122 = arith.addi %get3A_7, %add3A_121 : vector<16xi32>
      %gather3A_123 = tpu.vector_load_idx %arg6[%add3A_122] : memref<32768xf32, #tpu.memory_space<vmem>>[vector<16xi32>], vector<16xf32>,
      %mul3A_124 = arith.constant 8 : i32
      %mul3A_125 = arith.muli %mul3A_22, %mul3A_124 : i32
      %add3A_126 = arith.constant 1 : i32
      %add3A_127 = arith.addi %mul3A_125, %add3A_126 : i32
      %mul3A_128 = arith.constant 64 : i32
      %mul3A_129 = arith.muli %add3A_127, %mul3A_128 : i32
      %add3A_130 = arith.constant 32 : i32
      %add3A_131 = arith.addi %mul3A_129, %add3A_130 : i32
      %swap3A_132 = arith.index_cast %add3A_131 : i32 to index
      %swap3A_133 = tpu.vector_load %arg8[%swap3A_132] {strides = array<i32>} : memref<32768xf32, #tpu.memory_space<vmem>>, vector<16xf32>,
      tpu.vector_store %arg8[%swap3A_132], %gather3A_123 {strides = array<i32>} : memref<32768xf32, #tpu.memory_space<vmem>>, vector<16xf32>,
      %add3A_134 = arith.constant 4096 : i32
      %add3A_135 = vector.broadcast %add3A_134 : i32 to vector<16xi32>
      %add3A_136 = arith.addi %get3A_9, %add3A_135 : vector<16xi32>
      %gather3A_137 = tpu.vector_load_idx %arg6[%add3A_136] : memref<32768xf32, #tpu.memory_space<vmem>>[vector<16xi32>], vector<16xf32>,
      %mul3A_138 = arith.constant 8 : i32
      %mul3A_139 = arith.muli %mul3A_22, %mul3A_138 : i32
      %add3A_140 = arith.constant 1 : i32
      %add3A_141 = arith.addi %mul3A_139, %add3A_140 : i32
      %mul3A_142 = arith.constant 64 : i32
      %mul3A_143 = arith.muli %add3A_141, %mul3A_142 : i32
      %add3A_144 = arith.constant 48 : i32
      %add3A_145 = arith.addi %mul3A_143, %add3A_144 : i32
      %swap3A_146 = arith.index_cast %add3A_145 : i32 to index
      %swap3A_147 = tpu.vector_load %arg8[%swap3A_146] {strides = array<i32>} : memref<32768xf32, #tpu.memory_space<vmem>>, vector<16xf32>,
      tpu.vector_store %arg8[%swap3A_146], %gather3A_137 {strides = array<i32>} : memref<32768xf32, #tpu.memory_space<vmem>>, vector<16xf32>,
      %add3A_148 = arith.constant 8192 : i32
      %add3A_149 = vector.broadcast %add3A_148 : i32 to vector<16xi32>
      %add3A_150 = arith.addi %get3A_3, %add3A_149 : vector<16xi32>
      %gather3A_151 = tpu.vector_load_idx %arg6[%add3A_150] : memref<32768xf32, #tpu.memory_space<vmem>>[vector<16xi32>], vector<16xf32>,
      %mul3A_152 = arith.constant 8 : i32
      %mul3A_153 = arith.muli %mul3A_22, %mul3A_152 : i32
      %add3A_154 = arith.constant 2 : i32
      %add3A_155 = arith.addi %mul3A_153, %add3A_154 : i32
      %mul3A_156 = arith.constant 64 : i32
      %mul3A_157 = arith.muli %add3A_155, %mul3A_156 : i32
      %add3A_158 = arith.constant 0 : i32
      %add3A_159 = arith.addi %mul3A_157, %add3A_158 : i32
      %swap3A_160 = arith.index_cast %add3A_159 : i32 to index
      %swap3A_161 = tpu.vector_load %arg8[%swap3A_160] {strides = array<i32>} : memref<32768xf32, #tpu.memory_space<vmem>>, vector<16xf32>,
      tpu.vector_store %arg8[%swap3A_160], %gather3A_151 {strides = array<i32>} : memref<32768xf32, #tpu.memory_space<vmem>>, vector<16xf32>,
      %add3A_162 = arith.constant 8192 : i32
      %add3A_163 = vector.broadcast %add3A_162 : i32 to vector<16xi32>
      %add3A_164 = arith.addi %get3A_5, %add3A_163 : vector<16xi32>
      %gather3A_165 = tpu.vector_load_idx %arg6[%add3A_164] : memref<32768xf32, #tpu.memory_space<vmem>>[vector<16xi32>], vector<16xf32>,
      %mul3A_166 = arith.constant 8 : i32
      %mul3A_167 = arith.muli %mul3A_22, %mul3A_166 : i32
      %add3A_168 = arith.constant 2 : i32
      %add3A_169 = arith.addi %mul3A_167, %add3A_168 : i32
      %mul3A_170 = arith.constant 64 : i32
      %mul3A_171 = arith.muli %add3A_169, %mul3A_170 : i32
      %add3A_172 = arith.constant 16 : i32
      %add3A_173 = arith.addi %mul3A_171, %add3A_172 : i32
      %swap3A_174 = arith.index_cast %add3A_173 : i32 to index
      %swap3A_175 = tpu.vector_load %arg8[%swap3A_174] {strides = array<i32>} : memref<32768xf32, #tpu.memory_space<vmem>>, vector<16xf32>,
      tpu.vector_store %arg8[%swap3A_174], %gather3A_165 {strides = array<i32>} : memref<32768xf32, #tpu.memory_space<vmem>>, vector<16xf32>,
      %add3A_176 = arith.constant 8192 : i32
      %add3A_177 = vector.broadcast %add3A_176 : i32 to vector<16xi32>
      %add3A_178 = arith.addi %get3A_7, %add3A_177 : vector<16xi32>
      %gather3A_179 = tpu.vector_load_idx %arg6[%add3A_178] : memref<32768xf32, #tpu.memory_space<vmem>>[vector<16xi32>], vector<16xf32>,
      %mul3A_180 = arith.constant 8 : i32
      %mul3A_181 = arith.muli %mul3A_22, %mul3A_180 : i32
      %add3A_182 = arith.constant 2 : i32
      %add3A_183 = arith.addi %mul3A_181, %add3A_182 : i32
      %mul3A_184 = arith.constant 64 : i32
      %mul3A_185 = arith.muli %add3A_183, %mul3A_184 : i32
      %add3A_186 = arith.constant 32 : i32
      %add3A_187 = arith.addi %mul3A_185, %add3A_186 : i32
      %swap3A_188 = arith.index_cast %add3A_187 : i32 to index
      %swap3A_189 = tpu.vector_load %arg8[%swap3A_188] {strides = array<i32>} : memref<32768xf32, #tpu.memory_space<vmem>>, vector<16xf32>,
      tpu.vector_store %arg8[%swap3A_188], %gather3A_179 {strides = array<i32>} : memref<32768xf32, #tpu.memory_space<vmem>>, vector<16xf32>,
      %add3A_190 = arith.constant 8192 : i32
      %add3A_191 = vector.broadcast %add3A_190 : i32 to vector<16xi32>
      %add3A_192 = arith.addi %get3A_9, %add3A_191 : vector<16xi32>
      %gather3A_193 = tpu.vector_load_idx %arg6[%add3A_192] : memref<32768xf32, #tpu.memory_space<vmem>>[vector<16xi32>], vector<16xf32>,
      %mul3A_194 = arith.constant 8 : i32
      %mul3A_195 = arith.muli %mul3A_22, %mul3A_194 : i32
      %add3A_196 = arith.constant 2 : i32
      %add3A_197 = arith.addi %mul3A_195, %add3A_196 : i32
      %mul3A_198 = arith.constant 64 : i32
      %mul3A_199 = arith.muli %add3A_197, %mul3A_198 : i32
      %add3A_200 = arith.constant 48 : i32
      %add3A_201 = arith.addi %mul3A_199, %add3A_200 : i32
      %swap3A_202 = arith.index_cast %add3A_201 : i32 to index
      %swap3A_203 = tpu.vector_load %arg8[%swap3A_202] {strides = array<i32>} : memref<32768xf32, #tpu.memory_space<vmem>>, vector<16xf32>,
      tpu.vector_store %arg8[%swap3A_202], %gather3A_193 {strides = array<i32>} : memref<32768xf32, #tpu.memory_space<vmem>>, vector<16xf32>,
      %add3A_204 = arith.constant 12288 : i32
      %add3A_205 = vector.broadcast %add3A_204 : i32 to vector<16xi32>
      %add3A_206 = arith.addi %get3A_3, %add3A_205 : vector<16xi32>
      %gather3A_207 = tpu.vector_load_idx %arg6[%add3A_206] : memref<32768xf32, #tpu.memory_space<vmem>>[vector<16xi32>], vector<16xf32>,
      %mul3A_208 = arith.constant 8 : i32
      %mul3A_209 = arith.muli %mul3A_22, %mul3A_208 : i32
      %add3A_210 = arith.constant 3 : i32
      %add3A_211 = arith.addi %mul3A_209, %add3A_210 : i32
      %mul3A_212 = arith.constant 64 : i32
      %mul3A_213 = arith.muli %add3A_211, %mul3A_212 : i32
      %add3A_214 = arith.constant 0 : i32
      %add3A_215 = arith.addi %mul3A_213, %add3A_214 : i32
      %swap3A_216 = arith.index_cast %add3A_215 : i32 to index
      %swap3A_217 = tpu.vector_load %arg8[%swap3A_216] {strides = array<i32>} : memref<32768xf32, #tpu.memory_space<vmem>>, vector<16xf32>,
      tpu.vector_store %arg8[%swap3A_216], %gather3A_207 {strides = array<i32>} : memref<32768xf32, #tpu.memory_space<vmem>>, vector<16xf32>,
      %add3A_218 = arith.constant 12288 : i32
      %add3A_219 = vector.broadcast %add3A_218 : i32 to vector<16xi32>
      %add3A_220 = arith.addi %get3A_5, %add3A_219 : vector<16xi32>
      %gather3A_221 = tpu.vector_load_idx %arg6[%add3A_220] : memref<32768xf32, #tpu.memory_space<vmem>>[vector<16xi32>], vector<16xf32>,
      %mul3A_222 = arith.constant 8 : i32
      %mul3A_223 = arith.muli %mul3A_22, %mul3A_222 : i32
      %add3A_224 = arith.constant 3 : i32
      %add3A_225 = arith.addi %mul3A_223, %add3A_224 : i32
      %mul3A_226 = arith.constant 64 : i32
      %mul3A_227 = arith.muli %add3A_225, %mul3A_226 : i32
      %add3A_228 = arith.constant 16 : i32
      %add3A_229 = arith.addi %mul3A_227, %add3A_228 : i32
      %swap3A_230 = arith.index_cast %add3A_229 : i32 to index
      %swap3A_231 = tpu.vector_load %arg8[%swap3A_230] {strides = array<i32>} : memref<32768xf32, #tpu.memory_space<vmem>>, vector<16xf32>,
      tpu.vector_store %arg8[%swap3A_230], %gather3A_221 {strides = array<i32>} : memref<32768xf32, #tpu.memory_space<vmem>>, vector<16xf32>,
      %add3A_232 = arith.constant 12288 : i32
      %add3A_233 = vector.broadcast %add3A_232 : i32 to vector<16xi32>
      %add3A_234 = arith.addi %get3A_7, %add3A_233 : vector<16xi32>
      %gather3A_235 = tpu.vector_load_idx %arg6[%add3A_234] : memref<32768xf32, #tpu.memory_space<vmem>>[vector<16xi32>], vector<16xf32>,
      %mul3A_236 = arith.constant 8 : i32
      %mul3A_237 = arith.muli %mul3A_22, %mul3A_236 : i32
      %add3A_238 = arith.constant 3 : i32
      %add3A_239 = arith.addi %mul3A_237, %add3A_238 : i32
      %mul3A_240 = arith.constant 64 : i32
      %mul3A_241 = arith.muli %add3A_239, %mul3A_240 : i32
      %add3A_242 = arith.constant 32 : i32
      %add3A_243 = arith.addi %mul3A_241, %add3A_242 : i32
      %swap3A_244 = arith.index_cast %add3A_243 : i32 to index
      %swap3A_245 = tpu.vector_load %arg8[%swap3A_244] {strides = array<i32>} : memref<32768xf32, #tpu.memory_space<vmem>>, vector<16xf32>,
      tpu.vector_store %arg8[%swap3A_244], %gather3A_235 {strides = array<i32>} : memref<32768xf32, #tpu.memory_space<vmem>>, vector<16xf32>,
      %add3A_246 = arith.constant 12288 : i32
      %add3A_247 = vector.broadcast %add3A_246 : i32 to vector<16xi32>
      %add3A_248 = arith.addi %get3A_9, %add3A_247 : vector<16xi32>
      %gather3A_249 = tpu.vector_load_idx %arg6[%add3A_248] : memref<32768xf32, #tpu.memory_space<vmem>>[vector<16xi32>], vector<16xf32>,
      %mul3A_250 = arith.constant 8 : i32
      %mul3A_251 = arith.muli %mul3A_22, %mul3A_250 : i32
      %add3A_252 = arith.constant 3 : i32
      %add3A_253 = arith.addi %mul3A_251, %add3A_252 : i32
      %mul3A_254 = arith.constant 64 : i32
      %mul3A_255 = arith.muli %add3A_253, %mul3A_254 : i32
      %add3A_256 = arith.constant 48 : i32
      %add3A_257 = arith.addi %mul3A_255, %add3A_256 : i32
      %swap3A_258 = arith.index_cast %add3A_257 : i32 to index
      %swap3A_259 = tpu.vector_load %arg8[%swap3A_258] {strides = array<i32>} : memref<32768xf32, #tpu.memory_space<vmem>>, vector<16xf32>,
      tpu.vector_store %arg8[%swap3A_258], %gather3A_249 {strides = array<i32>} : memref<32768xf32, #tpu.memory_space<vmem>>, vector<16xf32>,
      %add3A_260 = arith.constant 16384 : i32
      %add3A_261 = vector.broadcast %add3A_260 : i32 to vector<16xi32>
      %add3A_262 = arith.addi %get3A_3, %add3A_261 : vector<16xi32>
      %gather3A_263 = tpu.vector_load_idx %arg6[%add3A_262] : memref<32768xf32, #tpu.memory_space<vmem>>[vector<16xi32>], vector<16xf32>,
      %mul3A_264 = arith.constant 8 : i32
      %mul3A_265 = arith.muli %mul3A_22, %mul3A_264 : i32
      %add3A_266 = arith.constant 4 : i32
      %add3A_267 = arith.addi %mul3A_265, %add3A_266 : i32
      %mul3A_268 = arith.constant 64 : i32
      %mul3A_269 = arith.muli %add3A_267, %mul3A_268 : i32
      %add3A_270 = arith.constant 0 : i32
      %add3A_271 = arith.addi %mul3A_269, %add3A_270 : i32
      %swap3A_272 = arith.index_cast %add3A_271 : i32 to index
      %swap3A_273 = tpu.vector_load %arg8[%swap3A_272] {strides = array<i32>} : memref<32768xf32, #tpu.memory_space<vmem>>, vector<16xf32>,
      tpu.vector_store %arg8[%swap3A_272], %gather3A_263 {strides = array<i32>} : memref<32768xf32, #tpu.memory_space<vmem>>, vector<16xf32>,
      %add3A_274 = arith.constant 16384 : i32
      %add3A_275 = vector.broadcast %add3A_274 : i32 to vector<16xi32>
      %add3A_276 = arith.addi %get3A_5, %add3A_275 : vector<16xi32>
      %gather3A_277 = tpu.vector_load_idx %arg6[%add3A_276] : memref<32768xf32, #tpu.memory_space<vmem>>[vector<16xi32>], vector<16xf32>,
      %mul3A_278 = arith.constant 8 : i32
      %mul3A_279 = arith.muli %mul3A_22, %mul3A_278 : i32
      %add3A_280 = arith.constant 4 : i32
      %add3A_281 = arith.addi %mul3A_279, %add3A_280 : i32
      %mul3A_282 = arith.constant 64 : i32
      %mul3A_283 = arith.muli %add3A_281, %mul3A_282 : i32
      %add3A_284 = arith.constant 16 : i32
      %add3A_285 = arith.addi %mul3A_283, %add3A_284 : i32
      %swap3A_286 = arith.index_cast %add3A_285 : i32 to index
      %swap3A_287 = tpu.vector_load %arg8[%swap3A_286] {strides = array<i32>} : memref<32768xf32, #tpu.memory_space<vmem>>, vector<16xf32>,
      tpu.vector_store %arg8[%swap3A_286], %gather3A_277 {strides = array<i32>} : memref<32768xf32, #tpu.memory_space<vmem>>, vector<16xf32>,
      %add3A_288 = arith.constant 16384 : i32
      %add3A_289 = vector.broadcast %add3A_288 : i32 to vector<16xi32>
      %add3A_290 = arith.addi %get3A_7, %add3A_289 : vector<16xi32>
      %gather3A_291 = tpu.vector_load_idx %arg6[%add3A_290] : memref<32768xf32, #tpu.memory_space<vmem>>[vector<16xi32>], vector<16xf32>,
      %mul3A_292 = arith.constant 8 : i32
      %mul3A_293 = arith.muli %mul3A_22, %mul3A_292 : i32
      %add3A_294 = arith.constant 4 : i32
      %add3A_295 = arith.addi %mul3A_293, %add3A_294 : i32
      %mul3A_296 = arith.constant 64 : i32
      %mul3A_297 = arith.muli %add3A_295, %mul3A_296 : i32
      %add3A_298 = arith.constant 32 : i32
      %add3A_299 = arith.addi %mul3A_297, %add3A_298 : i32
      %swap3A_300 = arith.index_cast %add3A_299 : i32 to index
      %swap3A_301 = tpu.vector_load %arg8[%swap3A_300] {strides = array<i32>} : memref<32768xf32, #tpu.memory_space<vmem>>, vector<16xf32>,
      tpu.vector_store %arg8[%swap3A_300], %gather3A_291 {strides = array<i32>} : memref<32768xf32, #tpu.memory_space<vmem>>, vector<16xf32>,
      %add3A_302 = arith.constant 16384 : i32
      %add3A_303 = vector.broadcast %add3A_302 : i32 to vector<16xi32>
      %add3A_304 = arith.addi %get3A_9, %add3A_303 : vector<16xi32>
      %gather3A_305 = tpu.vector_load_idx %arg6[%add3A_304] : memref<32768xf32, #tpu.memory_space<vmem>>[vector<16xi32>], vector<16xf32>,
      %mul3A_306 = arith.constant 8 : i32
      %mul3A_307 = arith.muli %mul3A_22, %mul3A_306 : i32
      %add3A_308 = arith.constant 4 : i32
      %add3A_309 = arith.addi %mul3A_307, %add3A_308 : i32
      %mul3A_310 = arith.constant 64 : i32
      %mul3A_311 = arith.muli %add3A_309, %mul3A_310 : i32
      %add3A_312 = arith.constant 48 : i32
      %add3A_313 = arith.addi %mul3A_311, %add3A_312 : i32
      %swap3A_314 = arith.index_cast %add3A_313 : i32 to index
      %swap3A_315 = tpu.vector_load %arg8[%swap3A_314] {strides = array<i32>} : memref<32768xf32, #tpu.memory_space<vmem>>, vector<16xf32>,
      tpu.vector_store %arg8[%swap3A_314], %gather3A_305 {strides = array<i32>} : memref<32768xf32, #tpu.memory_space<vmem>>, vector<16xf32>,
      %add3A_316 = arith.constant 20480 : i32
      %add3A_317 = vector.broadcast %add3A_316 : i32 to vector<16xi32>
      %add3A_318 = arith.addi %get3A_3, %add3A_317 : vector<16xi32>
      %gather3A_319 = tpu.vector_load_idx %arg6[%add3A_318] : memref<32768xf32, #tpu.memory_space<vmem>>[vector<16xi32>], vector<16xf32>,
      %mul3A_320 = arith.constant 8 : i32
      %mul3A_321 = arith.muli %mul3A_22, %mul3A_320 : i32
      %add3A_322 = arith.constant 5 : i32
      %add3A_323 = arith.addi %mul3A_321, %add3A_322 : i32
      %mul3A_324 = arith.constant 64 : i32
      %mul3A_325 = arith.muli %add3A_323, %mul3A_324 : i32
      %add3A_326 = arith.constant 0 : i32
      %add3A_327 = arith.addi %mul3A_325, %add3A_326 : i32
      %swap3A_328 = arith.index_cast %add3A_327 : i32 to index
      %swap3A_329 = tpu.vector_load %arg8[%swap3A_328] {strides = array<i32>} : memref<32768xf32, #tpu.memory_space<vmem>>, vector<16xf32>,
      tpu.vector_store %arg8[%swap3A_328], %gather3A_319 {strides = array<i32>} : memref<32768xf32, #tpu.memory_space<vmem>>, vector<16xf32>,
      %add3A_330 = arith.constant 20480 : i32
      %add3A_331 = vector.broadcast %add3A_330 : i32 to vector<16xi32>
      %add3A_332 = arith.addi %get3A_5, %add3A_331 : vector<16xi32>
      %gather3A_333 = tpu.vector_load_idx %arg6[%add3A_332] : memref<32768xf32, #tpu.memory_space<vmem>>[vector<16xi32>], vector<16xf32>,
      %mul3A_334 = arith.constant 8 : i32
      %mul3A_335 = arith.muli %mul3A_22, %mul3A_334 : i32
      %add3A_336 = arith.constant 5 : i32
      %add3A_337 = arith.addi %mul3A_335, %add3A_336 : i32
      %mul3A_338 = arith.constant 64 : i32
      %mul3A_339 = arith.muli %add3A_337, %mul3A_338 : i32
      %add3A_340 = arith.constant 16 : i32
      %add3A_341 = arith.addi %mul3A_339, %add3A_340 : i32
      %swap3A_342 = arith.index_cast %add3A_341 : i32 to index
      %swap3A_343 = tpu.vector_load %arg8[%swap3A_342] {strides = array<i32>} : memref<32768xf32, #tpu.memory_space<vmem>>, vector<16xf32>,
      tpu.vector_store %arg8[%swap3A_342], %gather3A_333 {strides = array<i32>} : memref<32768xf32, #tpu.memory_space<vmem>>, vector<16xf32>,
      %add3A_344 = arith.constant 20480 : i32
      %add3A_345 = vector.broadcast %add3A_344 : i32 to vector<16xi32>
      %add3A_346 = arith.addi %get3A_7, %add3A_345 : vector<16xi32>
      %gather3A_347 = tpu.vector_load_idx %arg6[%add3A_346] : memref<32768xf32, #tpu.memory_space<vmem>>[vector<16xi32>], vector<16xf32>,
      %mul3A_348 = arith.constant 8 : i32
      %mul3A_349 = arith.muli %mul3A_22, %mul3A_348 : i32
      %add3A_350 = arith.constant 5 : i32
      %add3A_351 = arith.addi %mul3A_349, %add3A_350 : i32
      %mul3A_352 = arith.constant 64 : i32
      %mul3A_353 = arith.muli %add3A_351, %mul3A_352 : i32
      %add3A_354 = arith.constant 32 : i32
      %add3A_355 = arith.addi %mul3A_353, %add3A_354 : i32
      %swap3A_356 = arith.index_cast %add3A_355 : i32 to index
      %swap3A_357 = tpu.vector_load %arg8[%swap3A_356] {strides = array<i32>} : memref<32768xf32, #tpu.memory_space<vmem>>, vector<16xf32>,
      tpu.vector_store %arg8[%swap3A_356], %gather3A_347 {strides = array<i32>} : memref<32768xf32, #tpu.memory_space<vmem>>, vector<16xf32>,
      %add3A_358 = arith.constant 20480 : i32
      %add3A_359 = vector.broadcast %add3A_358 : i32 to vector<16xi32>
      %add3A_360 = arith.addi %get3A_9, %add3A_359 : vector<16xi32>
      %gather3A_361 = tpu.vector_load_idx %arg6[%add3A_360] : memref<32768xf32, #tpu.memory_space<vmem>>[vector<16xi32>], vector<16xf32>,
      %mul3A_362 = arith.constant 8 : i32
      %mul3A_363 = arith.muli %mul3A_22, %mul3A_362 : i32
      %add3A_364 = arith.constant 5 : i32
      %add3A_365 = arith.addi %mul3A_363, %add3A_364 : i32
      %mul3A_366 = arith.constant 64 : i32
      %mul3A_367 = arith.muli %add3A_365, %mul3A_366 : i32
      %add3A_368 = arith.constant 48 : i32
      %add3A_369 = arith.addi %mul3A_367, %add3A_368 : i32
      %swap3A_370 = arith.index_cast %add3A_369 : i32 to index
      %swap3A_371 = tpu.vector_load %arg8[%swap3A_370] {strides = array<i32>} : memref<32768xf32, #tpu.memory_space<vmem>>, vector<16xf32>,
      tpu.vector_store %arg8[%swap3A_370], %gather3A_361 {strides = array<i32>} : memref<32768xf32, #tpu.memory_space<vmem>>, vector<16xf32>,
      %add3A_372 = arith.constant 24576 : i32
      %add3A_373 = vector.broadcast %add3A_372 : i32 to vector<16xi32>
      %add3A_374 = arith.addi %get3A_3, %add3A_373 : vector<16xi32>
      %gather3A_375 = tpu.vector_load_idx %arg6[%add3A_374] : memref<32768xf32, #tpu.memory_space<vmem>>[vector<16xi32>], vector<16xf32>,
      %mul3A_376 = arith.constant 8 : i32
      %mul3A_377 = arith.muli %mul3A_22, %mul3A_376 : i32
      %add3A_378 = arith.constant 6 : i32
      %add3A_379 = arith.addi %mul3A_377, %add3A_378 : i32
      %mul3A_380 = arith.constant 64 : i32
      %mul3A_381 = arith.muli %add3A_379, %mul3A_380 : i32
      %add3A_382 = arith.constant 0 : i32
      %add3A_383 = arith.addi %mul3A_381, %add3A_382 : i32
      %swap3A_384 = arith.index_cast %add3A_383 : i32 to index
      %swap3A_385 = tpu.vector_load %arg8[%swap3A_384] {strides = array<i32>} : memref<32768xf32, #tpu.memory_space<vmem>>, vector<16xf32>,
      tpu.vector_store %arg8[%swap3A_384], %gather3A_375 {strides = array<i32>} : memref<32768xf32, #tpu.memory_space<vmem>>, vector<16xf32>,
      %add3A_386 = arith.constant 24576 : i32
      %add3A_387 = vector.broadcast %add3A_386 : i32 to vector<16xi32>
      %add3A_388 = arith.addi %get3A_5, %add3A_387 : vector<16xi32>
      %gather3A_389 = tpu.vector_load_idx %arg6[%add3A_388] : memref<32768xf32, #tpu.memory_space<vmem>>[vector<16xi32>], vector<16xf32>,
      %mul3A_390 = arith.constant 8 : i32
      %mul3A_391 = arith.muli %mul3A_22, %mul3A_390 : i32
      %add3A_392 = arith.constant 6 : i32
      %add3A_393 = arith.addi %mul3A_391, %add3A_392 : i32
      %mul3A_394 = arith.constant 64 : i32
      %mul3A_395 = arith.muli %add3A_393, %mul3A_394 : i32
      %add3A_396 = arith.constant 16 : i32
      %add3A_397 = arith.addi %mul3A_395, %add3A_396 : i32
      %swap3A_398 = arith.index_cast %add3A_397 : i32 to index
      %swap3A_399 = tpu.vector_load %arg8[%swap3A_398] {strides = array<i32>} : memref<32768xf32, #tpu.memory_space<vmem>>, vector<16xf32>,
      tpu.vector_store %arg8[%swap3A_398], %gather3A_389 {strides = array<i32>} : memref<32768xf32, #tpu.memory_space<vmem>>, vector<16xf32>,
      %add3A_400 = arith.constant 24576 : i32
      %add3A_401 = vector.broadcast %add3A_400 : i32 to vector<16xi32>
      %add3A_402 = arith.addi %get3A_7, %add3A_401 : vector<16xi32>
      %gather3A_403 = tpu.vector_load_idx %arg6[%add3A_402] : memref<32768xf32, #tpu.memory_space<vmem>>[vector<16xi32>], vector<16xf32>,
      %mul3A_404 = arith.constant 8 : i32
      %mul3A_405 = arith.muli %mul3A_22, %mul3A_404 : i32
      %add3A_406 = arith.constant 6 : i32
      %add3A_407 = arith.addi %mul3A_405, %add3A_406 : i32
      %mul3A_408 = arith.constant 64 : i32
      %mul3A_409 = arith.muli %add3A_407, %mul3A_408 : i32
      %add3A_410 = arith.constant 32 : i32
      %add3A_411 = arith.addi %mul3A_409, %add3A_410 : i32
      %swap3A_412 = arith.index_cast %add3A_411 : i32 to index
      %swap3A_413 = tpu.vector_load %arg8[%swap3A_412] {strides = array<i32>} : memref<32768xf32, #tpu.memory_space<vmem>>, vector<16xf32>,
      tpu.vector_store %arg8[%swap3A_412], %gather3A_403 {strides = array<i32>} : memref<32768xf32, #tpu.memory_space<vmem>>, vector<16xf32>,
      %add3A_414 = arith.constant 24576 : i32
      %add3A_415 = vector.broadcast %add3A_414 : i32 to vector<16xi32>
      %add3A_416 = arith.addi %get3A_9, %add3A_415 : vector<16xi32>
      %gather3A_417 = tpu.vector_load_idx %arg6[%add3A_416] : memref<32768xf32, #tpu.memory_space<vmem>>[vector<16xi32>], vector<16xf32>,
      %mul3A_418 = arith.constant 8 : i32
      %mul3A_419 = arith.muli %mul3A_22, %mul3A_418 : i32
      %add3A_420 = arith.constant 6 : i32
      %add3A_421 = arith.addi %mul3A_419, %add3A_420 : i32
      %mul3A_422 = arith.constant 64 : i32
      %mul3A_423 = arith.muli %add3A_421, %mul3A_422 : i32
      %add3A_424 = arith.constant 48 : i32
      %add3A_425 = arith.addi %mul3A_423, %add3A_424 : i32
      %swap3A_426 = arith.index_cast %add3A_425 : i32 to index
      %swap3A_427 = tpu.vector_load %arg8[%swap3A_426] {strides = array<i32>} : memref<32768xf32, #tpu.memory_space<vmem>>, vector<16xf32>,
      tpu.vector_store %arg8[%swap3A_426], %gather3A_417 {strides = array<i32>} : memref<32768xf32, #tpu.memory_space<vmem>>, vector<16xf32>,
      %add3A_428 = arith.constant 28672 : i32
      %add3A_429 = vector.broadcast %add3A_428 : i32 to vector<16xi32>
      %add3A_430 = arith.addi %get3A_3, %add3A_429 : vector<16xi32>
      %gather3A_431 = tpu.vector_load_idx %arg6[%add3A_430] : memref<32768xf32, #tpu.memory_space<vmem>>[vector<16xi32>], vector<16xf32>,
      %mul3A_432 = arith.constant 8 : i32
      %mul3A_433 = arith.muli %mul3A_22, %mul3A_432 : i32
      %add3A_434 = arith.constant 7 : i32
      %add3A_435 = arith.addi %mul3A_433, %add3A_434 : i32
      %mul3A_436 = arith.constant 64 : i32
      %mul3A_437 = arith.muli %add3A_435, %mul3A_436 : i32
      %add3A_438 = arith.constant 0 : i32
      %add3A_439 = arith.addi %mul3A_437, %add3A_438 : i32
      %swap3A_440 = arith.index_cast %add3A_439 : i32 to index
      %swap3A_441 = tpu.vector_load %arg8[%swap3A_440] {strides = array<i32>} : memref<32768xf32, #tpu.memory_space<vmem>>, vector<16xf32>,
      tpu.vector_store %arg8[%swap3A_440], %gather3A_431 {strides = array<i32>} : memref<32768xf32, #tpu.memory_space<vmem>>, vector<16xf32>,
      %add3A_442 = arith.constant 28672 : i32
      %add3A_443 = vector.broadcast %add3A_442 : i32 to vector<16xi32>
      %add3A_444 = arith.addi %get3A_5, %add3A_443 : vector<16xi32>
      %gather3A_445 = tpu.vector_load_idx %arg6[%add3A_444] : memref<32768xf32, #tpu.memory_space<vmem>>[vector<16xi32>], vector<16xf32>,
      %mul3A_446 = arith.constant 8 : i32
      %mul3A_447 = arith.muli %mul3A_22, %mul3A_446 : i32
      %add3A_448 = arith.constant 7 : i32
      %add3A_449 = arith.addi %mul3A_447, %add3A_448 : i32
      %mul3A_450 = arith.constant 64 : i32
      %mul3A_451 = arith.muli %add3A_449, %mul3A_450 : i32
      %add3A_452 = arith.constant 16 : i32
      %add3A_453 = arith.addi %mul3A_451, %add3A_452 : i32
      %swap3A_454 = arith.index_cast %add3A_453 : i32 to index
      %swap3A_455 = tpu.vector_load %arg8[%swap3A_454] {strides = array<i32>} : memref<32768xf32, #tpu.memory_space<vmem>>, vector<16xf32>,
      tpu.vector_store %arg8[%swap3A_454], %gather3A_445 {strides = array<i32>} : memref<32768xf32, #tpu.memory_space<vmem>>, vector<16xf32>,
      %add3A_456 = arith.constant 28672 : i32
      %add3A_457 = vector.broadcast %add3A_456 : i32 to vector<16xi32>
      %add3A_458 = arith.addi %get3A_7, %add3A_457 : vector<16xi32>
      %gather3A_459 = tpu.vector_load_idx %arg6[%add3A_458] : memref<32768xf32, #tpu.memory_space<vmem>>[vector<16xi32>], vector<16xf32>,
      %mul3A_460 = arith.constant 8 : i32
      %mul3A_461 = arith.muli %mul3A_22, %mul3A_460 : i32
      %add3A_462 = arith.constant 7 : i32
      %add3A_463 = arith.addi %mul3A_461, %add3A_462 : i32
      %mul3A_464 = arith.constant 64 : i32
      %mul3A_465 = arith.muli %add3A_463, %mul3A_464 : i32
      %add3A_466 = arith.constant 32 : i32
      %add3A_467 = arith.addi %mul3A_465, %add3A_466 : i32
      %swap3A_468 = arith.index_cast %add3A_467 : i32 to index
      %swap3A_469 = tpu.vector_load %arg8[%swap3A_468] {strides = array<i32>} : memref<32768xf32, #tpu.memory_space<vmem>>, vector<16xf32>,
      tpu.vector_store %arg8[%swap3A_468], %gather3A_459 {strides = array<i32>} : memref<32768xf32, #tpu.memory_space<vmem>>, vector<16xf32>,
      %add3A_470 = arith.constant 28672 : i32
      %add3A_471 = vector.broadcast %add3A_470 : i32 to vector<16xi32>
      %add3A_472 = arith.addi %get3A_9, %add3A_471 : vector<16xi32>
      %gather3A_473 = tpu.vector_load_idx %arg6[%add3A_472] : memref<32768xf32, #tpu.memory_space<vmem>>[vector<16xi32>], vector<16xf32>,
      %mul3A_474 = arith.constant 8 : i32
      %mul3A_475 = arith.muli %mul3A_22, %mul3A_474 : i32
      %add3A_476 = arith.constant 7 : i32
      %add3A_477 = arith.addi %mul3A_475, %add3A_476 : i32
      %mul3A_478 = arith.constant 64 : i32
      %mul3A_479 = arith.muli %add3A_477, %mul3A_478 : i32
      %add3A_480 = arith.constant 48 : i32
      %add3A_481 = arith.addi %mul3A_479, %add3A_480 : i32
      %swap3A_482 = arith.index_cast %add3A_481 : i32 to index
      %swap3A_483 = tpu.vector_load %arg8[%swap3A_482] {strides = array<i32>} : memref<32768xf32, #tpu.memory_space<vmem>>, vector<16xf32>,
      tpu.vector_store %arg8[%swap3A_482], %gather3A_473 {strides = array<i32>} : memref<32768xf32, #tpu.memory_space<vmem>>, vector<16xf32>,
      %lt3A = arith.constant 31 : i32
      %lt3A_484 = arith.cmpi slt, %scan3A_20, %lt3A : i32
      %convert_element_type3A = arith.extui %lt3A_484 : i1 to i32
      %cond3A = arith.constant 0 : i32
      %cond3A_485 = arith.cmpi ne, %convert_element_type3A, %cond3A : i32
      scf.if %cond3A_485 {
        %add3A_945 = arith.constant 2 : i32
        %add3A_946 = arith.addi %mul3A_22, %add3A_945 : i32
        %mul3A_947 = arith.constant 8 : i32
        %mul3A_948 = arith.muli %add3A_946, %mul3A_947 : i32
        %add3A_949 = arith.addi %mul3A_2, %mul3A_948 : i32
        %mul3A_950 = arith.constant 4096 : i32
        %mul3A_951 = arith.muli %add3A_949, %mul3A_950 : i32
        %dma_start3A_952 = tpu.memref_slice %arg2[%mul3A_951] : memref<67108864xf32, #tpu.memory_space<hbm>> -> memref<32768xf32, #tpu.memory_space<hbm>>
        %dma_start3A_953 = tpu.memref_slice %arg2[%mul3A_951] : memref<67108864xf32, #tpu.memory_space<hbm>> -> memref<32768xf32, #tpu.memory_space<hbm>>
        tpu.enqueue_dma source(%dma_start3A_953 : memref<32768xf32, #tpu.memory_space<hbm>>) target(%arg6 : memref<32768xf32, #tpu.memory_space<vmem>>) target_semaphore(%arg9 : memref<!tpu.dma_semaphore, #tpu.memory_space<semaphore_mem>>)
      } else {
      }
      %add3A_486 = arith.constant 1 : i32
      %add3A_487 = arith.addi %mul3A_22, %add3A_486 : i32
      %mul3A_488 = arith.constant 8 : i32
      %mul3A_489 = arith.muli %add3A_487, %mul3A_488 : i32
      %add3A_490 = arith.addi %mul3A_2, %mul3A_489 : i32
      %mul3A_491 = arith.constant 4096 : i32
      %mul3A_492 = arith.muli %add3A_490, %mul3A_491 : i32
      %dma_wait3A_493 = tpu.memref_slice %arg2[%mul3A_492] : memref<67108864xf32, #tpu.memory_space<hbm>> -> memref<32768xf32, #tpu.memory_space<hbm>>
      %dma_wait3A_494 = tpu.memref_slice %arg2[%mul3A_492] : memref<67108864xf32, #tpu.memory_space<hbm>> -> memref<32768xf32, #tpu.memory_space<hbm>>
      tpu.wait_dma2 semaphore(%arg10 : memref<!tpu.dma_semaphore, #tpu.memory_space<semaphore_mem>>) src(%dma_wait3A_494 : memref<32768xf32, #tpu.memory_space<hbm>>) dst(%arg7 : memref<32768xf32, #tpu.memory_space<vmem>>)
      %add3A_495 = arith.constant 1 : i32
      %add3A_496 = arith.addi %mul3A_22, %add3A_495 : i32
      %add3A_497 = arith.constant 0 : i32
      %add3A_498 = vector.broadcast %add3A_497 : i32 to vector<16xi32>
      %add3A_499 = arith.addi %get3A_3, %add3A_498 : vector<16xi32>
      %gather3A_500 = tpu.vector_load_idx %arg7[%add3A_499] : memref<32768xf32, #tpu.memory_space<vmem>>[vector<16xi32>], vector<16xf32>,
      %mul3A_501 = arith.constant 8 : i32
      %mul3A_502 = arith.muli %add3A_496, %mul3A_501 : i32
      %add3A_503 = arith.constant 0 : i32
      %add3A_504 = arith.addi %mul3A_502, %add3A_503 : i32
      %mul3A_505 = arith.constant 64 : i32
      %mul3A_506 = arith.muli %add3A_504, %mul3A_505 : i32
      %add3A_507 = arith.constant 0 : i32
      %add3A_508 = arith.addi %mul3A_506, %add3A_507 : i32
      %swap3A_509 = arith.index_cast %add3A_508 : i32 to index
      %swap3A_510 = tpu.vector_load %arg8[%swap3A_509] {strides = array<i32>} : memref<32768xf32, #tpu.memory_space<vmem>>, vector<16xf32>,
      tpu.vector_store %arg8[%swap3A_509], %gather3A_500 {strides = array<i32>} : memref<32768xf32, #tpu.memory_space<vmem>>, vector<16xf32>,
      %add3A_511 = arith.constant 0 : i32
      %add3A_512 = vector.broadcast %add3A_511 : i32 to vector<16xi32>
      %add3A_513 = arith.addi %get3A_5, %add3A_512 : vector<16xi32>
      %gather3A_514 = tpu.vector_load_idx %arg7[%add3A_513] : memref<32768xf32, #tpu.memory_space<vmem>>[vector<16xi32>], vector<16xf32>,
      %mul3A_515 = arith.constant 8 : i32
      %mul3A_516 = arith.muli %add3A_496, %mul3A_515 : i32
      %add3A_517 = arith.constant 0 : i32
      %add3A_518 = arith.addi %mul3A_516, %add3A_517 : i32
      %mul3A_519 = arith.constant 64 : i32
      %mul3A_520 = arith.muli %add3A_518, %mul3A_519 : i32
      %add3A_521 = arith.constant 16 : i32
      %add3A_522 = arith.addi %mul3A_520, %add3A_521 : i32
      %swap3A_523 = arith.index_cast %add3A_522 : i32 to index
      %swap3A_524 = tpu.vector_load %arg8[%swap3A_523] {strides = array<i32>} : memref<32768xf32, #tpu.memory_space<vmem>>, vector<16xf32>,
      tpu.vector_store %arg8[%swap3A_523], %gather3A_514 {strides = array<i32>} : memref<32768xf32, #tpu.memory_space<vmem>>, vector<16xf32>,
      %add3A_525 = arith.constant 0 : i32
      %add3A_526 = vector.broadcast %add3A_525 : i32 to vector<16xi32>
      %add3A_527 = arith.addi %get3A_7, %add3A_526 : vector<16xi32>
      %gather3A_528 = tpu.vector_load_idx %arg7[%add3A_527] : memref<32768xf32, #tpu.memory_space<vmem>>[vector<16xi32>], vector<16xf32>,
      %mul3A_529 = arith.constant 8 : i32
      %mul3A_530 = arith.muli %add3A_496, %mul3A_529 : i32
      %add3A_531 = arith.constant 0 : i32
      %add3A_532 = arith.addi %mul3A_530, %add3A_531 : i32
      %mul3A_533 = arith.constant 64 : i32
      %mul3A_534 = arith.muli %add3A_532, %mul3A_533 : i32
      %add3A_535 = arith.constant 32 : i32
      %add3A_536 = arith.addi %mul3A_534, %add3A_535 : i32
      %swap3A_537 = arith.index_cast %add3A_536 : i32 to index
      %swap3A_538 = tpu.vector_load %arg8[%swap3A_537] {strides = array<i32>} : memref<32768xf32, #tpu.memory_space<vmem>>, vector<16xf32>,
      tpu.vector_store %arg8[%swap3A_537], %gather3A_528 {strides = array<i32>} : memref<32768xf32, #tpu.memory_space<vmem>>, vector<16xf32>,
      %add3A_539 = arith.constant 0 : i32
      %add3A_540 = vector.broadcast %add3A_539 : i32 to vector<16xi32>
      %add3A_541 = arith.addi %get3A_9, %add3A_540 : vector<16xi32>
      %gather3A_542 = tpu.vector_load_idx %arg7[%add3A_541] : memref<32768xf32, #tpu.memory_space<vmem>>[vector<16xi32>], vector<16xf32>,
      %mul3A_543 = arith.constant 8 : i32
      %mul3A_544 = arith.muli %add3A_496, %mul3A_543 : i32
      %add3A_545 = arith.constant 0 : i32
      %add3A_546 = arith.addi %mul3A_544, %add3A_545 : i32
      %mul3A_547 = arith.constant 64 : i32
      %mul3A_548 = arith.muli %add3A_546, %mul3A_547 : i32
      %add3A_549 = arith.constant 48 : i32
      %add3A_550 = arith.addi %mul3A_548, %add3A_549 : i32
      %swap3A_551 = arith.index_cast %add3A_550 : i32 to index
      %swap3A_552 = tpu.vector_load %arg8[%swap3A_551] {strides = array<i32>} : memref<32768xf32, #tpu.memory_space<vmem>>, vector<16xf32>,
      tpu.vector_store %arg8[%swap3A_551], %gather3A_542 {strides = array<i32>} : memref<32768xf32, #tpu.memory_space<vmem>>, vector<16xf32>,
      %add3A_553 = arith.constant 4096 : i32
      %add3A_554 = vector.broadcast %add3A_553 : i32 to vector<16xi32>
      %add3A_555 = arith.addi %get3A_3, %add3A_554 : vector<16xi32>
      %gather3A_556 = tpu.vector_load_idx %arg7[%add3A_555] : memref<32768xf32, #tpu.memory_space<vmem>>[vector<16xi32>], vector<16xf32>,
      %mul3A_557 = arith.constant 8 : i32
      %mul3A_558 = arith.muli %add3A_496, %mul3A_557 : i32
      %add3A_559 = arith.constant 1 : i32
      %add3A_560 = arith.addi %mul3A_558, %add3A_559 : i32
      %mul3A_561 = arith.constant 64 : i32
      %mul3A_562 = arith.muli %add3A_560, %mul3A_561 : i32
      %add3A_563 = arith.constant 0 : i32
      %add3A_564 = arith.addi %mul3A_562, %add3A_563 : i32
      %swap3A_565 = arith.index_cast %add3A_564 : i32 to index
      %swap3A_566 = tpu.vector_load %arg8[%swap3A_565] {strides = array<i32>} : memref<32768xf32, #tpu.memory_space<vmem>>, vector<16xf32>,
      tpu.vector_store %arg8[%swap3A_565], %gather3A_556 {strides = array<i32>} : memref<32768xf32, #tpu.memory_space<vmem>>, vector<16xf32>,
      %add3A_567 = arith.constant 4096 : i32
      %add3A_568 = vector.broadcast %add3A_567 : i32 to vector<16xi32>
      %add3A_569 = arith.addi %get3A_5, %add3A_568 : vector<16xi32>
      %gather3A_570 = tpu.vector_load_idx %arg7[%add3A_569] : memref<32768xf32, #tpu.memory_space<vmem>>[vector<16xi32>], vector<16xf32>,
      %mul3A_571 = arith.constant 8 : i32
      %mul3A_572 = arith.muli %add3A_496, %mul3A_571 : i32
      %add3A_573 = arith.constant 1 : i32
      %add3A_574 = arith.addi %mul3A_572, %add3A_573 : i32
      %mul3A_575 = arith.constant 64 : i32
      %mul3A_576 = arith.muli %add3A_574, %mul3A_575 : i32
      %add3A_577 = arith.constant 16 : i32
      %add3A_578 = arith.addi %mul3A_576, %add3A_577 : i32
      %swap3A_579 = arith.index_cast %add3A_578 : i32 to index
      %swap3A_580 = tpu.vector_load %arg8[%swap3A_579] {strides = array<i32>} : memref<32768xf32, #tpu.memory_space<vmem>>, vector<16xf32>,
      tpu.vector_store %arg8[%swap3A_579], %gather3A_570 {strides = array<i32>} : memref<32768xf32, #tpu.memory_space<vmem>>, vector<16xf32>,
      %add3A_581 = arith.constant 4096 : i32
      %add3A_582 = vector.broadcast %add3A_581 : i32 to vector<16xi32>
      %add3A_583 = arith.addi %get3A_7, %add3A_582 : vector<16xi32>
      %gather3A_584 = tpu.vector_load_idx %arg7[%add3A_583] : memref<32768xf32, #tpu.memory_space<vmem>>[vector<16xi32>], vector<16xf32>,
      %mul3A_585 = arith.constant 8 : i32
      %mul3A_586 = arith.muli %add3A_496, %mul3A_585 : i32
      %add3A_587 = arith.constant 1 : i32
      %add3A_588 = arith.addi %mul3A_586, %add3A_587 : i32
      %mul3A_589 = arith.constant 64 : i32
      %mul3A_590 = arith.muli %add3A_588, %mul3A_589 : i32
      %add3A_591 = arith.constant 32 : i32
      %add3A_592 = arith.addi %mul3A_590, %add3A_591 : i32
      %swap3A_593 = arith.index_cast %add3A_592 : i32 to index
      %swap3A_594 = tpu.vector_load %arg8[%swap3A_593] {strides = array<i32>} : memref<32768xf32, #tpu.memory_space<vmem>>, vector<16xf32>,
      tpu.vector_store %arg8[%swap3A_593], %gather3A_584 {strides = array<i32>} : memref<32768xf32, #tpu.memory_space<vmem>>, vector<16xf32>,
      %add3A_595 = arith.constant 4096 : i32
      %add3A_596 = vector.broadcast %add3A_595 : i32 to vector<16xi32>
      %add3A_597 = arith.addi %get3A_9, %add3A_596 : vector<16xi32>
      %gather3A_598 = tpu.vector_load_idx %arg7[%add3A_597] : memref<32768xf32, #tpu.memory_space<vmem>>[vector<16xi32>], vector<16xf32>,
      %mul3A_599 = arith.constant 8 : i32
      %mul3A_600 = arith.muli %add3A_496, %mul3A_599 : i32
      %add3A_601 = arith.constant 1 : i32
      %add3A_602 = arith.addi %mul3A_600, %add3A_601 : i32
      %mul3A_603 = arith.constant 64 : i32
      %mul3A_604 = arith.muli %add3A_602, %mul3A_603 : i32
      %add3A_605 = arith.constant 48 : i32
      %add3A_606 = arith.addi %mul3A_604, %add3A_605 : i32
      %swap3A_607 = arith.index_cast %add3A_606 : i32 to index
      %swap3A_608 = tpu.vector_load %arg8[%swap3A_607] {strides = array<i32>} : memref<32768xf32, #tpu.memory_space<vmem>>, vector<16xf32>,
      tpu.vector_store %arg8[%swap3A_607], %gather3A_598 {strides = array<i32>} : memref<32768xf32, #tpu.memory_space<vmem>>, vector<16xf32>,
      %add3A_609 = arith.constant 8192 : i32
      %add3A_610 = vector.broadcast %add3A_609 : i32 to vector<16xi32>
      %add3A_611 = arith.addi %get3A_3, %add3A_610 : vector<16xi32>
      %gather3A_612 = tpu.vector_load_idx %arg7[%add3A_611] : memref<32768xf32, #tpu.memory_space<vmem>>[vector<16xi32>], vector<16xf32>,
      %mul3A_613 = arith.constant 8 : i32
      %mul3A_614 = arith.muli %add3A_496, %mul3A_613 : i32
      %add3A_615 = arith.constant 2 : i32
      %add3A_616 = arith.addi %mul3A_614, %add3A_615 : i32
      %mul3A_617 = arith.constant 64 : i32
      %mul3A_618 = arith.muli %add3A_616, %mul3A_617 : i32
      %add3A_619 = arith.constant 0 : i32
      %add3A_620 = arith.addi %mul3A_618, %add3A_619 : i32
      %swap3A_621 = arith.index_cast %add3A_620 : i32 to index
      %swap3A_622 = tpu.vector_load %arg8[%swap3A_621] {strides = array<i32>} : memref<32768xf32, #tpu.memory_space<vmem>>, vector<16xf32>,
      tpu.vector_store %arg8[%swap3A_621], %gather3A_612 {strides = array<i32>} : memref<32768xf32, #tpu.memory_space<vmem>>, vector<16xf32>,
      %add3A_623 = arith.constant 8192 : i32
      %add3A_624 = vector.broadcast %add3A_623 : i32 to vector<16xi32>
      %add3A_625 = arith.addi %get3A_5, %add3A_624 : vector<16xi32>
      %gather3A_626 = tpu.vector_load_idx %arg7[%add3A_625] : memref<32768xf32, #tpu.memory_space<vmem>>[vector<16xi32>], vector<16xf32>,
      %mul3A_627 = arith.constant 8 : i32
      %mul3A_628 = arith.muli %add3A_496, %mul3A_627 : i32
      %add3A_629 = arith.constant 2 : i32
      %add3A_630 = arith.addi %mul3A_628, %add3A_629 : i32
      %mul3A_631 = arith.constant 64 : i32
      %mul3A_632 = arith.muli %add3A_630, %mul3A_631 : i32
      %add3A_633 = arith.constant 16 : i32
      %add3A_634 = arith.addi %mul3A_632, %add3A_633 : i32
      %swap3A_635 = arith.index_cast %add3A_634 : i32 to index
      %swap3A_636 = tpu.vector_load %arg8[%swap3A_635] {strides = array<i32>} : memref<32768xf32, #tpu.memory_space<vmem>>, vector<16xf32>,
      tpu.vector_store %arg8[%swap3A_635], %gather3A_626 {strides = array<i32>} : memref<32768xf32, #tpu.memory_space<vmem>>, vector<16xf32>,
      %add3A_637 = arith.constant 8192 : i32
      %add3A_638 = vector.broadcast %add3A_637 : i32 to vector<16xi32>
      %add3A_639 = arith.addi %get3A_7, %add3A_638 : vector<16xi32>
      %gather3A_640 = tpu.vector_load_idx %arg7[%add3A_639] : memref<32768xf32, #tpu.memory_space<vmem>>[vector<16xi32>], vector<16xf32>,
      %mul3A_641 = arith.constant 8 : i32
      %mul3A_642 = arith.muli %add3A_496, %mul3A_641 : i32
      %add3A_643 = arith.constant 2 : i32
      %add3A_644 = arith.addi %mul3A_642, %add3A_643 : i32
      %mul3A_645 = arith.constant 64 : i32
      %mul3A_646 = arith.muli %add3A_644, %mul3A_645 : i32
      %add3A_647 = arith.constant 32 : i32
      %add3A_648 = arith.addi %mul3A_646, %add3A_647 : i32
      %swap3A_649 = arith.index_cast %add3A_648 : i32 to index
      %swap3A_650 = tpu.vector_load %arg8[%swap3A_649] {strides = array<i32>} : memref<32768xf32, #tpu.memory_space<vmem>>, vector<16xf32>,
      tpu.vector_store %arg8[%swap3A_649], %gather3A_640 {strides = array<i32>} : memref<32768xf32, #tpu.memory_space<vmem>>, vector<16xf32>,
      %add3A_651 = arith.constant 8192 : i32
      %add3A_652 = vector.broadcast %add3A_651 : i32 to vector<16xi32>
      %add3A_653 = arith.addi %get3A_9, %add3A_652 : vector<16xi32>
      %gather3A_654 = tpu.vector_load_idx %arg7[%add3A_653] : memref<32768xf32, #tpu.memory_space<vmem>>[vector<16xi32>], vector<16xf32>,
      %mul3A_655 = arith.constant 8 : i32
      %mul3A_656 = arith.muli %add3A_496, %mul3A_655 : i32
      %add3A_657 = arith.constant 2 : i32
      %add3A_658 = arith.addi %mul3A_656, %add3A_657 : i32
      %mul3A_659 = arith.constant 64 : i32
      %mul3A_660 = arith.muli %add3A_658, %mul3A_659 : i32
      %add3A_661 = arith.constant 48 : i32
      %add3A_662 = arith.addi %mul3A_660, %add3A_661 : i32
      %swap3A_663 = arith.index_cast %add3A_662 : i32 to index
      %swap3A_664 = tpu.vector_load %arg8[%swap3A_663] {strides = array<i32>} : memref<32768xf32, #tpu.memory_space<vmem>>, vector<16xf32>,
      tpu.vector_store %arg8[%swap3A_663], %gather3A_654 {strides = array<i32>} : memref<32768xf32, #tpu.memory_space<vmem>>, vector<16xf32>,
      %add3A_665 = arith.constant 12288 : i32
      %add3A_666 = vector.broadcast %add3A_665 : i32 to vector<16xi32>
      %add3A_667 = arith.addi %get3A_3, %add3A_666 : vector<16xi32>
      %gather3A_668 = tpu.vector_load_idx %arg7[%add3A_667] : memref<32768xf32, #tpu.memory_space<vmem>>[vector<16xi32>], vector<16xf32>,
      %mul3A_669 = arith.constant 8 : i32
      %mul3A_670 = arith.muli %add3A_496, %mul3A_669 : i32
      %add3A_671 = arith.constant 3 : i32
      %add3A_672 = arith.addi %mul3A_670, %add3A_671 : i32
      %mul3A_673 = arith.constant 64 : i32
      %mul3A_674 = arith.muli %add3A_672, %mul3A_673 : i32
      %add3A_675 = arith.constant 0 : i32
      %add3A_676 = arith.addi %mul3A_674, %add3A_675 : i32
      %swap3A_677 = arith.index_cast %add3A_676 : i32 to index
      %swap3A_678 = tpu.vector_load %arg8[%swap3A_677] {strides = array<i32>} : memref<32768xf32, #tpu.memory_space<vmem>>, vector<16xf32>,
      tpu.vector_store %arg8[%swap3A_677], %gather3A_668 {strides = array<i32>} : memref<32768xf32, #tpu.memory_space<vmem>>, vector<16xf32>,
      %add3A_679 = arith.constant 12288 : i32
      %add3A_680 = vector.broadcast %add3A_679 : i32 to vector<16xi32>
      %add3A_681 = arith.addi %get3A_5, %add3A_680 : vector<16xi32>
      %gather3A_682 = tpu.vector_load_idx %arg7[%add3A_681] : memref<32768xf32, #tpu.memory_space<vmem>>[vector<16xi32>], vector<16xf32>,
      %mul3A_683 = arith.constant 8 : i32
      %mul3A_684 = arith.muli %add3A_496, %mul3A_683 : i32
      %add3A_685 = arith.constant 3 : i32
      %add3A_686 = arith.addi %mul3A_684, %add3A_685 : i32
      %mul3A_687 = arith.constant 64 : i32
      %mul3A_688 = arith.muli %add3A_686, %mul3A_687 : i32
      %add3A_689 = arith.constant 16 : i32
      %add3A_690 = arith.addi %mul3A_688, %add3A_689 : i32
      %swap3A_691 = arith.index_cast %add3A_690 : i32 to index
      %swap3A_692 = tpu.vector_load %arg8[%swap3A_691] {strides = array<i32>} : memref<32768xf32, #tpu.memory_space<vmem>>, vector<16xf32>,
      tpu.vector_store %arg8[%swap3A_691], %gather3A_682 {strides = array<i32>} : memref<32768xf32, #tpu.memory_space<vmem>>, vector<16xf32>,
      %add3A_693 = arith.constant 12288 : i32
      %add3A_694 = vector.broadcast %add3A_693 : i32 to vector<16xi32>
      %add3A_695 = arith.addi %get3A_7, %add3A_694 : vector<16xi32>
      %gather3A_696 = tpu.vector_load_idx %arg7[%add3A_695] : memref<32768xf32, #tpu.memory_space<vmem>>[vector<16xi32>], vector<16xf32>,
      %mul3A_697 = arith.constant 8 : i32
      %mul3A_698 = arith.muli %add3A_496, %mul3A_697 : i32
      %add3A_699 = arith.constant 3 : i32
      %add3A_700 = arith.addi %mul3A_698, %add3A_699 : i32
      %mul3A_701 = arith.constant 64 : i32
      %mul3A_702 = arith.muli %add3A_700, %mul3A_701 : i32
      %add3A_703 = arith.constant 32 : i32
      %add3A_704 = arith.addi %mul3A_702, %add3A_703 : i32
      %swap3A_705 = arith.index_cast %add3A_704 : i32 to index
      %swap3A_706 = tpu.vector_load %arg8[%swap3A_705] {strides = array<i32>} : memref<32768xf32, #tpu.memory_space<vmem>>, vector<16xf32>,
      tpu.vector_store %arg8[%swap3A_705], %gather3A_696 {strides = array<i32>} : memref<32768xf32, #tpu.memory_space<vmem>>, vector<16xf32>,
      %add3A_707 = arith.constant 12288 : i32
      %add3A_708 = vector.broadcast %add3A_707 : i32 to vector<16xi32>
      %add3A_709 = arith.addi %get3A_9, %add3A_708 : vector<16xi32>
      %gather3A_710 = tpu.vector_load_idx %arg7[%add3A_709] : memref<32768xf32, #tpu.memory_space<vmem>>[vector<16xi32>], vector<16xf32>,
      %mul3A_711 = arith.constant 8 : i32
      %mul3A_712 = arith.muli %add3A_496, %mul3A_711 : i32
      %add3A_713 = arith.constant 3 : i32
      %add3A_714 = arith.addi %mul3A_712, %add3A_713 : i32
      %mul3A_715 = arith.constant 64 : i32
      %mul3A_716 = arith.muli %add3A_714, %mul3A_715 : i32
      %add3A_717 = arith.constant 48 : i32
      %add3A_718 = arith.addi %mul3A_716, %add3A_717 : i32
      %swap3A_719 = arith.index_cast %add3A_718 : i32 to index
      %swap3A_720 = tpu.vector_load %arg8[%swap3A_719] {strides = array<i32>} : memref<32768xf32, #tpu.memory_space<vmem>>, vector<16xf32>,
      tpu.vector_store %arg8[%swap3A_719], %gather3A_710 {strides = array<i32>} : memref<32768xf32, #tpu.memory_space<vmem>>, vector<16xf32>,
      %add3A_721 = arith.constant 16384 : i32
      %add3A_722 = vector.broadcast %add3A_721 : i32 to vector<16xi32>
      %add3A_723 = arith.addi %get3A_3, %add3A_722 : vector<16xi32>
      %gather3A_724 = tpu.vector_load_idx %arg7[%add3A_723] : memref<32768xf32, #tpu.memory_space<vmem>>[vector<16xi32>], vector<16xf32>,
      %mul3A_725 = arith.constant 8 : i32
      %mul3A_726 = arith.muli %add3A_496, %mul3A_725 : i32
      %add3A_727 = arith.constant 4 : i32
      %add3A_728 = arith.addi %mul3A_726, %add3A_727 : i32
      %mul3A_729 = arith.constant 64 : i32
      %mul3A_730 = arith.muli %add3A_728, %mul3A_729 : i32
      %add3A_731 = arith.constant 0 : i32
      %add3A_732 = arith.addi %mul3A_730, %add3A_731 : i32
      %swap3A_733 = arith.index_cast %add3A_732 : i32 to index
      %swap3A_734 = tpu.vector_load %arg8[%swap3A_733] {strides = array<i32>} : memref<32768xf32, #tpu.memory_space<vmem>>, vector<16xf32>,
      tpu.vector_store %arg8[%swap3A_733], %gather3A_724 {strides = array<i32>} : memref<32768xf32, #tpu.memory_space<vmem>>, vector<16xf32>,
      %add3A_735 = arith.constant 16384 : i32
      %add3A_736 = vector.broadcast %add3A_735 : i32 to vector<16xi32>
      %add3A_737 = arith.addi %get3A_5, %add3A_736 : vector<16xi32>
      %gather3A_738 = tpu.vector_load_idx %arg7[%add3A_737] : memref<32768xf32, #tpu.memory_space<vmem>>[vector<16xi32>], vector<16xf32>,
      %mul3A_739 = arith.constant 8 : i32
      %mul3A_740 = arith.muli %add3A_496, %mul3A_739 : i32
      %add3A_741 = arith.constant 4 : i32
      %add3A_742 = arith.addi %mul3A_740, %add3A_741 : i32
      %mul3A_743 = arith.constant 64 : i32
      %mul3A_744 = arith.muli %add3A_742, %mul3A_743 : i32
      %add3A_745 = arith.constant 16 : i32
      %add3A_746 = arith.addi %mul3A_744, %add3A_745 : i32
      %swap3A_747 = arith.index_cast %add3A_746 : i32 to index
      %swap3A_748 = tpu.vector_load %arg8[%swap3A_747] {strides = array<i32>} : memref<32768xf32, #tpu.memory_space<vmem>>, vector<16xf32>,
      tpu.vector_store %arg8[%swap3A_747], %gather3A_738 {strides = array<i32>} : memref<32768xf32, #tpu.memory_space<vmem>>, vector<16xf32>,
      %add3A_749 = arith.constant 16384 : i32
      %add3A_750 = vector.broadcast %add3A_749 : i32 to vector<16xi32>
      %add3A_751 = arith.addi %get3A_7, %add3A_750 : vector<16xi32>
      %gather3A_752 = tpu.vector_load_idx %arg7[%add3A_751] : memref<32768xf32, #tpu.memory_space<vmem>>[vector<16xi32>], vector<16xf32>,
      %mul3A_753 = arith.constant 8 : i32
      %mul3A_754 = arith.muli %add3A_496, %mul3A_753 : i32
      %add3A_755 = arith.constant 4 : i32
      %add3A_756 = arith.addi %mul3A_754, %add3A_755 : i32
      %mul3A_757 = arith.constant 64 : i32
      %mul3A_758 = arith.muli %add3A_756, %mul3A_757 : i32
      %add3A_759 = arith.constant 32 : i32
      %add3A_760 = arith.addi %mul3A_758, %add3A_759 : i32
      %swap3A_761 = arith.index_cast %add3A_760 : i32 to index
      %swap3A_762 = tpu.vector_load %arg8[%swap3A_761] {strides = array<i32>} : memref<32768xf32, #tpu.memory_space<vmem>>, vector<16xf32>,
      tpu.vector_store %arg8[%swap3A_761], %gather3A_752 {strides = array<i32>} : memref<32768xf32, #tpu.memory_space<vmem>>, vector<16xf32>,
      %add3A_763 = arith.constant 16384 : i32
      %add3A_764 = vector.broadcast %add3A_763 : i32 to vector<16xi32>
      %add3A_765 = arith.addi %get3A_9, %add3A_764 : vector<16xi32>
      %gather3A_766 = tpu.vector_load_idx %arg7[%add3A_765] : memref<32768xf32, #tpu.memory_space<vmem>>[vector<16xi32>], vector<16xf32>,
      %mul3A_767 = arith.constant 8 : i32
      %mul3A_768 = arith.muli %add3A_496, %mul3A_767 : i32
      %add3A_769 = arith.constant 4 : i32
      %add3A_770 = arith.addi %mul3A_768, %add3A_769 : i32
      %mul3A_771 = arith.constant 64 : i32
      %mul3A_772 = arith.muli %add3A_770, %mul3A_771 : i32
      %add3A_773 = arith.constant 48 : i32
      %add3A_774 = arith.addi %mul3A_772, %add3A_773 : i32
      %swap3A_775 = arith.index_cast %add3A_774 : i32 to index
      %swap3A_776 = tpu.vector_load %arg8[%swap3A_775] {strides = array<i32>} : memref<32768xf32, #tpu.memory_space<vmem>>, vector<16xf32>,
      tpu.vector_store %arg8[%swap3A_775], %gather3A_766 {strides = array<i32>} : memref<32768xf32, #tpu.memory_space<vmem>>, vector<16xf32>,
      %add3A_777 = arith.constant 20480 : i32
      %add3A_778 = vector.broadcast %add3A_777 : i32 to vector<16xi32>
      %add3A_779 = arith.addi %get3A_3, %add3A_778 : vector<16xi32>
      %gather3A_780 = tpu.vector_load_idx %arg7[%add3A_779] : memref<32768xf32, #tpu.memory_space<vmem>>[vector<16xi32>], vector<16xf32>,
      %mul3A_781 = arith.constant 8 : i32
      %mul3A_782 = arith.muli %add3A_496, %mul3A_781 : i32
      %add3A_783 = arith.constant 5 : i32
      %add3A_784 = arith.addi %mul3A_782, %add3A_783 : i32
      %mul3A_785 = arith.constant 64 : i32
      %mul3A_786 = arith.muli %add3A_784, %mul3A_785 : i32
      %add3A_787 = arith.constant 0 : i32
      %add3A_788 = arith.addi %mul3A_786, %add3A_787 : i32
      %swap3A_789 = arith.index_cast %add3A_788 : i32 to index
      %swap3A_790 = tpu.vector_load %arg8[%swap3A_789] {strides = array<i32>} : memref<32768xf32, #tpu.memory_space<vmem>>, vector<16xf32>,
      tpu.vector_store %arg8[%swap3A_789], %gather3A_780 {strides = array<i32>} : memref<32768xf32, #tpu.memory_space<vmem>>, vector<16xf32>,
      %add3A_791 = arith.constant 20480 : i32
      %add3A_792 = vector.broadcast %add3A_791 : i32 to vector<16xi32>
      %add3A_793 = arith.addi %get3A_5, %add3A_792 : vector<16xi32>
      %gather3A_794 = tpu.vector_load_idx %arg7[%add3A_793] : memref<32768xf32, #tpu.memory_space<vmem>>[vector<16xi32>], vector<16xf32>,
      %mul3A_795 = arith.constant 8 : i32
      %mul3A_796 = arith.muli %add3A_496, %mul3A_795 : i32
      %add3A_797 = arith.constant 5 : i32
      %add3A_798 = arith.addi %mul3A_796, %add3A_797 : i32
      %mul3A_799 = arith.constant 64 : i32
      %mul3A_800 = arith.muli %add3A_798, %mul3A_799 : i32
      %add3A_801 = arith.constant 16 : i32
      %add3A_802 = arith.addi %mul3A_800, %add3A_801 : i32
      %swap3A_803 = arith.index_cast %add3A_802 : i32 to index
      %swap3A_804 = tpu.vector_load %arg8[%swap3A_803] {strides = array<i32>} : memref<32768xf32, #tpu.memory_space<vmem>>, vector<16xf32>,
      tpu.vector_store %arg8[%swap3A_803], %gather3A_794 {strides = array<i32>} : memref<32768xf32, #tpu.memory_space<vmem>>, vector<16xf32>,
      %add3A_805 = arith.constant 20480 : i32
      %add3A_806 = vector.broadcast %add3A_805 : i32 to vector<16xi32>
      %add3A_807 = arith.addi %get3A_7, %add3A_806 : vector<16xi32>
      %gather3A_808 = tpu.vector_load_idx %arg7[%add3A_807] : memref<32768xf32, #tpu.memory_space<vmem>>[vector<16xi32>], vector<16xf32>,
      %mul3A_809 = arith.constant 8 : i32
      %mul3A_810 = arith.muli %add3A_496, %mul3A_809 : i32
      %add3A_811 = arith.constant 5 : i32
      %add3A_812 = arith.addi %mul3A_810, %add3A_811 : i32
      %mul3A_813 = arith.constant 64 : i32
      %mul3A_814 = arith.muli %add3A_812, %mul3A_813 : i32
      %add3A_815 = arith.constant 32 : i32
      %add3A_816 = arith.addi %mul3A_814, %add3A_815 : i32
      %swap3A_817 = arith.index_cast %add3A_816 : i32 to index
      %swap3A_818 = tpu.vector_load %arg8[%swap3A_817] {strides = array<i32>} : memref<32768xf32, #tpu.memory_space<vmem>>, vector<16xf32>,
      tpu.vector_store %arg8[%swap3A_817], %gather3A_808 {strides = array<i32>} : memref<32768xf32, #tpu.memory_space<vmem>>, vector<16xf32>,
      %add3A_819 = arith.constant 20480 : i32
      %add3A_820 = vector.broadcast %add3A_819 : i32 to vector<16xi32>
      %add3A_821 = arith.addi %get3A_9, %add3A_820 : vector<16xi32>
      %gather3A_822 = tpu.vector_load_idx %arg7[%add3A_821] : memref<32768xf32, #tpu.memory_space<vmem>>[vector<16xi32>], vector<16xf32>,
      %mul3A_823 = arith.constant 8 : i32
      %mul3A_824 = arith.muli %add3A_496, %mul3A_823 : i32
      %add3A_825 = arith.constant 5 : i32
      %add3A_826 = arith.addi %mul3A_824, %add3A_825 : i32
      %mul3A_827 = arith.constant 64 : i32
      %mul3A_828 = arith.muli %add3A_826, %mul3A_827 : i32
      %add3A_829 = arith.constant 48 : i32
      %add3A_830 = arith.addi %mul3A_828, %add3A_829 : i32
      %swap3A_831 = arith.index_cast %add3A_830 : i32 to index
      %swap3A_832 = tpu.vector_load %arg8[%swap3A_831] {strides = array<i32>} : memref<32768xf32, #tpu.memory_space<vmem>>, vector<16xf32>,
      tpu.vector_store %arg8[%swap3A_831], %gather3A_822 {strides = array<i32>} : memref<32768xf32, #tpu.memory_space<vmem>>, vector<16xf32>,
      %add3A_833 = arith.constant 24576 : i32
      %add3A_834 = vector.broadcast %add3A_833 : i32 to vector<16xi32>
      %add3A_835 = arith.addi %get3A_3, %add3A_834 : vector<16xi32>
      %gather3A_836 = tpu.vector_load_idx %arg7[%add3A_835] : memref<32768xf32, #tpu.memory_space<vmem>>[vector<16xi32>], vector<16xf32>,
      %mul3A_837 = arith.constant 8 : i32
      %mul3A_838 = arith.muli %add3A_496, %mul3A_837 : i32
      %add3A_839 = arith.constant 6 : i32
      %add3A_840 = arith.addi %mul3A_838, %add3A_839 : i32
      %mul3A_841 = arith.constant 64 : i32
      %mul3A_842 = arith.muli %add3A_840, %mul3A_841 : i32
      %add3A_843 = arith.constant 0 : i32
      %add3A_844 = arith.addi %mul3A_842, %add3A_843 : i32
      %swap3A_845 = arith.index_cast %add3A_844 : i32 to index
      %swap3A_846 = tpu.vector_load %arg8[%swap3A_845] {strides = array<i32>} : memref<32768xf32, #tpu.memory_space<vmem>>, vector<16xf32>,
      tpu.vector_store %arg8[%swap3A_845], %gather3A_836 {strides = array<i32>} : memref<32768xf32, #tpu.memory_space<vmem>>, vector<16xf32>,
      %add3A_847 = arith.constant 24576 : i32
      %add3A_848 = vector.broadcast %add3A_847 : i32 to vector<16xi32>
      %add3A_849 = arith.addi %get3A_5, %add3A_848 : vector<16xi32>
      %gather3A_850 = tpu.vector_load_idx %arg7[%add3A_849] : memref<32768xf32, #tpu.memory_space<vmem>>[vector<16xi32>], vector<16xf32>,
      %mul3A_851 = arith.constant 8 : i32
      %mul3A_852 = arith.muli %add3A_496, %mul3A_851 : i32
      %add3A_853 = arith.constant 6 : i32
      %add3A_854 = arith.addi %mul3A_852, %add3A_853 : i32
      %mul3A_855 = arith.constant 64 : i32
      %mul3A_856 = arith.muli %add3A_854, %mul3A_855 : i32
      %add3A_857 = arith.constant 16 : i32
      %add3A_858 = arith.addi %mul3A_856, %add3A_857 : i32
      %swap3A_859 = arith.index_cast %add3A_858 : i32 to index
      %swap3A_860 = tpu.vector_load %arg8[%swap3A_859] {strides = array<i32>} : memref<32768xf32, #tpu.memory_space<vmem>>, vector<16xf32>,
      tpu.vector_store %arg8[%swap3A_859], %gather3A_850 {strides = array<i32>} : memref<32768xf32, #tpu.memory_space<vmem>>, vector<16xf32>,
      %add3A_861 = arith.constant 24576 : i32
      %add3A_862 = vector.broadcast %add3A_861 : i32 to vector<16xi32>
      %add3A_863 = arith.addi %get3A_7, %add3A_862 : vector<16xi32>
      %gather3A_864 = tpu.vector_load_idx %arg7[%add3A_863] : memref<32768xf32, #tpu.memory_space<vmem>>[vector<16xi32>], vector<16xf32>,
      %mul3A_865 = arith.constant 8 : i32
      %mul3A_866 = arith.muli %add3A_496, %mul3A_865 : i32
      %add3A_867 = arith.constant 6 : i32
      %add3A_868 = arith.addi %mul3A_866, %add3A_867 : i32
      %mul3A_869 = arith.constant 64 : i32
      %mul3A_870 = arith.muli %add3A_868, %mul3A_869 : i32
      %add3A_871 = arith.constant 32 : i32
      %add3A_872 = arith.addi %mul3A_870, %add3A_871 : i32
      %swap3A_873 = arith.index_cast %add3A_872 : i32 to index
      %swap3A_874 = tpu.vector_load %arg8[%swap3A_873] {strides = array<i32>} : memref<32768xf32, #tpu.memory_space<vmem>>, vector<16xf32>,
      tpu.vector_store %arg8[%swap3A_873], %gather3A_864 {strides = array<i32>} : memref<32768xf32, #tpu.memory_space<vmem>>, vector<16xf32>,
      %add3A_875 = arith.constant 24576 : i32
      %add3A_876 = vector.broadcast %add3A_875 : i32 to vector<16xi32>
      %add3A_877 = arith.addi %get3A_9, %add3A_876 : vector<16xi32>
      %gather3A_878 = tpu.vector_load_idx %arg7[%add3A_877] : memref<32768xf32, #tpu.memory_space<vmem>>[vector<16xi32>], vector<16xf32>,
      %mul3A_879 = arith.constant 8 : i32
      %mul3A_880 = arith.muli %add3A_496, %mul3A_879 : i32
      %add3A_881 = arith.constant 6 : i32
      %add3A_882 = arith.addi %mul3A_880, %add3A_881 : i32
      %mul3A_883 = arith.constant 64 : i32
      %mul3A_884 = arith.muli %add3A_882, %mul3A_883 : i32
      %add3A_885 = arith.constant 48 : i32
      %add3A_886 = arith.addi %mul3A_884, %add3A_885 : i32
      %swap3A_887 = arith.index_cast %add3A_886 : i32 to index
      %swap3A_888 = tpu.vector_load %arg8[%swap3A_887] {strides = array<i32>} : memref<32768xf32, #tpu.memory_space<vmem>>, vector<16xf32>,
      tpu.vector_store %arg8[%swap3A_887], %gather3A_878 {strides = array<i32>} : memref<32768xf32, #tpu.memory_space<vmem>>, vector<16xf32>,
      %add3A_889 = arith.constant 28672 : i32
      %add3A_890 = vector.broadcast %add3A_889 : i32 to vector<16xi32>
      %add3A_891 = arith.addi %get3A_3, %add3A_890 : vector<16xi32>
      %gather3A_892 = tpu.vector_load_idx %arg7[%add3A_891] : memref<32768xf32, #tpu.memory_space<vmem>>[vector<16xi32>], vector<16xf32>,
      %mul3A_893 = arith.constant 8 : i32
      %mul3A_894 = arith.muli %add3A_496, %mul3A_893 : i32
      %add3A_895 = arith.constant 7 : i32
      %add3A_896 = arith.addi %mul3A_894, %add3A_895 : i32
      %mul3A_897 = arith.constant 64 : i32
      %mul3A_898 = arith.muli %add3A_896, %mul3A_897 : i32
      %add3A_899 = arith.constant 0 : i32
      %add3A_900 = arith.addi %mul3A_898, %add3A_899 : i32
      %swap3A_901 = arith.index_cast %add3A_900 : i32 to index
      %swap3A_902 = tpu.vector_load %arg8[%swap3A_901] {strides = array<i32>} : memref<32768xf32, #tpu.memory_space<vmem>>, vector<16xf32>,
      tpu.vector_store %arg8[%swap3A_901], %gather3A_892 {strides = array<i32>} : memref<32768xf32, #tpu.memory_space<vmem>>, vector<16xf32>,
      %add3A_903 = arith.constant 28672 : i32
      %add3A_904 = vector.broadcast %add3A_903 : i32 to vector<16xi32>
      %add3A_905 = arith.addi %get3A_5, %add3A_904 : vector<16xi32>
      %gather3A_906 = tpu.vector_load_idx %arg7[%add3A_905] : memref<32768xf32, #tpu.memory_space<vmem>>[vector<16xi32>], vector<16xf32>,
      %mul3A_907 = arith.constant 8 : i32
      %mul3A_908 = arith.muli %add3A_496, %mul3A_907 : i32
      %add3A_909 = arith.constant 7 : i32
      %add3A_910 = arith.addi %mul3A_908, %add3A_909 : i32
      %mul3A_911 = arith.constant 64 : i32
      %mul3A_912 = arith.muli %add3A_910, %mul3A_911 : i32
      %add3A_913 = arith.constant 16 : i32
      %add3A_914 = arith.addi %mul3A_912, %add3A_913 : i32
      %swap3A_915 = arith.index_cast %add3A_914 : i32 to index
      %swap3A_916 = tpu.vector_load %arg8[%swap3A_915] {strides = array<i32>} : memref<32768xf32, #tpu.memory_space<vmem>>, vector<16xf32>,
      tpu.vector_store %arg8[%swap3A_915], %gather3A_906 {strides = array<i32>} : memref<32768xf32, #tpu.memory_space<vmem>>, vector<16xf32>,
      %add3A_917 = arith.constant 28672 : i32
      %add3A_918 = vector.broadcast %add3A_917 : i32 to vector<16xi32>
      %add3A_919 = arith.addi %get3A_7, %add3A_918 : vector<16xi32>
      %gather3A_920 = tpu.vector_load_idx %arg7[%add3A_919] : memref<32768xf32, #tpu.memory_space<vmem>>[vector<16xi32>], vector<16xf32>,
      %mul3A_921 = arith.constant 8 : i32
      %mul3A_922 = arith.muli %add3A_496, %mul3A_921 : i32
      %add3A_923 = arith.constant 7 : i32
      %add3A_924 = arith.addi %mul3A_922, %add3A_923 : i32
      %mul3A_925 = arith.constant 64 : i32
      %mul3A_926 = arith.muli %add3A_924, %mul3A_925 : i32
      %add3A_927 = arith.constant 32 : i32
      %add3A_928 = arith.addi %mul3A_926, %add3A_927 : i32
      %swap3A_929 = arith.index_cast %add3A_928 : i32 to index
      %swap3A_930 = tpu.vector_load %arg8[%swap3A_929] {strides = array<i32>} : memref<32768xf32, #tpu.memory_space<vmem>>, vector<16xf32>,
      tpu.vector_store %arg8[%swap3A_929], %gather3A_920 {strides = array<i32>} : memref<32768xf32, #tpu.memory_space<vmem>>, vector<16xf32>,
      %add3A_931 = arith.constant 28672 : i32
      %add3A_932 = vector.broadcast %add3A_931 : i32 to vector<16xi32>
      %add3A_933 = arith.addi %get3A_9, %add3A_932 : vector<16xi32>
      %gather3A_934 = tpu.vector_load_idx %arg7[%add3A_933] : memref<32768xf32, #tpu.memory_space<vmem>>[vector<16xi32>], vector<16xf32>,
      %mul3A_935 = arith.constant 8 : i32
      %mul3A_936 = arith.muli %add3A_496, %mul3A_935 : i32
      %add3A_937 = arith.constant 7 : i32
      %add3A_938 = arith.addi %mul3A_936, %add3A_937 : i32
      %mul3A_939 = arith.constant 64 : i32
      %mul3A_940 = arith.muli %add3A_938, %mul3A_939 : i32
      %add3A_941 = arith.constant 48 : i32
      %add3A_942 = arith.addi %mul3A_940, %add3A_941 : i32
      %swap3A_943 = arith.index_cast %add3A_942 : i32 to index
      %swap3A_944 = tpu.vector_load %arg8[%swap3A_943] {strides = array<i32>} : memref<32768xf32, #tpu.memory_space<vmem>>, vector<16xf32>,
      tpu.vector_store %arg8[%swap3A_943], %gather3A_934 {strides = array<i32>} : memref<32768xf32, #tpu.memory_space<vmem>>, vector<16xf32>,
    }
    %scan3A_19 = arith.constant 32 : i32
    "tpu.region"() ({
      %run_scoped3A = tpu.sem_alloc : memref<!tpu.dma_semaphore, #tpu.memory_space<semaphore_mem>>
      %dma_start3A_20 = arith.constant 0 : i32
      %dma_start3A_21 = tpu.memref_slice %arg4[%add3A, %dma_start3A_20] : memref<32x32768xf32, #tpu.memory_space<hbm>> -> memref<1x32768xf32, #tpu.memory_space<hbm>>
      %dma_start3A_22 = tpu.memref_squeeze %dma_start3A_21 : memref<1x32768xf32, #tpu.memory_space<hbm>> -> memref<32768xf32, #tpu.memory_space<hbm>>
      %dma_start3A_23 = arith.constant 0 : i32
      %dma_start3A_24 = tpu.memref_slice %arg4[%add3A, %dma_start3A_23] : memref<32x32768xf32, #tpu.memory_space<hbm>> -> memref<1x32768xf32, #tpu.memory_space<hbm>>
      %dma_start3A_25 = tpu.memref_squeeze %dma_start3A_24 : memref<1x32768xf32, #tpu.memory_space<hbm>> -> memref<32768xf32, #tpu.memory_space<hbm>>
      tpu.enqueue_dma source(%arg8 : memref<32768xf32, #tpu.memory_space<vmem>>) target(%dma_start3A_25 : memref<32768xf32, #tpu.memory_space<hbm>>) target_semaphore(%run_scoped3A : memref<!tpu.dma_semaphore, #tpu.memory_space<semaphore_mem>>)
      %dma_wait3A = arith.constant 0 : i32
      %dma_wait3A_26 = tpu.memref_slice %arg4[%add3A, %dma_wait3A] : memref<32x32768xf32, #tpu.memory_space<hbm>> -> memref<1x32768xf32, #tpu.memory_space<hbm>>
      %dma_wait3A_27 = tpu.memref_squeeze %dma_wait3A_26 : memref<1x32768xf32, #tpu.memory_space<hbm>> -> memref<32768xf32, #tpu.memory_space<hbm>>
      %dma_wait3A_28 = arith.constant 0 : i32
      %dma_wait3A_29 = tpu.memref_slice %arg4[%add3A, %dma_wait3A_28] : memref<32x32768xf32, #tpu.memory_space<hbm>> -> memref<1x32768xf32, #tpu.memory_space<hbm>>
      %dma_wait3A_30 = tpu.memref_squeeze %dma_wait3A_29 : memref<1x32768xf32, #tpu.memory_space<hbm>> -> memref<32768xf32, #tpu.memory_space<hbm>>
      tpu.wait_dma2 semaphore(%run_scoped3A : memref<!tpu.dma_semaphore, #tpu.memory_space<semaphore_mem>>) src(%arg8 : memref<32768xf32, #tpu.memory_space<vmem>>) dst(%dma_wait3A_30 : memref<32768xf32, #tpu.memory_space<hbm>>)
      tpu.yield
    }) : () -> ()
    return
  }
}

</mosaic_0001>

<sc_bundles>
// kernel: kernel.3.cloned.1.call-start
scs
__scs_entry_jumppad:
0x0: {  	(pc) =	sbr.rel $0x88, $3  }
0x1: {  	(tag) =	ssettag $0x0;
	lr =	simm.s32 $0x1  }
0x2: {  	[smem:$0x3F9F] =	sst lr;
	_ =	strace $0xD0000000  }
0x3: {  	_ = 	snop  }
0x4: {  	_ = 	snop  }
0x5: {  	_ = 	snop  }
0x6: {  	_ = 	snop  }
0x7: {  	_ = 	snop  }
__scs_overlays_trampoline_lowered:
0x8: {  	[smem:$0x3FAE] =	sst s0  }
0x9: {  	[smem:$0x3FAF] =	sst s1  }
0xa: {  	[smem:$0x3FB0] =	sst s2  }
0xb: {  	[smem:$0x3FB1] =	sst s3  }
0xc: {  	[smem:$0x3FB2] =	sst s4  }
0xd: {  	[smem:$0x3FB3] =	sst s5  }
0xe: {  	[smem:$0x3FB4] =	sst s6  }
0xf: {  	[smem:$0x3FB5] =	sst s7  }
0x10: {  	[smem:$0x3FB6] =	sst s8  }
0x11: {  	[smem:$0x3FB7] =	sst s9;
	s0 =	simm.s32 @!p0 $0x0  }
0x12: {  	s1 =	sld [smem:$0x3F9D];
	s0 =	simm.s32 @p0 $0x1  }
0x13: {  	[smem:$0x3FB8] =	sst s0;
	s0 =	simm.s32 @!p1 $0x0  }
0x14: {  	s2 =	sld [smem:$0x3F9C];
	s0 =	simm.s32 @p1 $0x1  }
0x15: {  	[smem:$0x3FB9] =	sst s0;
	s0 =	simm.s32 @!p2 $0x0  }
0x16: {  	s3 =	sld [smem:$0x3FDB];
	s0 =	simm.s32 @p2 $0x1  }
0x17: {  	s4 =	simm.s32 $0x1BF5;
	[smem:$0x3FBB] =	sst s0  }
0x18: {  	s0 =	sld [smem:$0x3F9E];
	_ =	swait.ge [sflag:s4], $0x0  }
0x19: {  	s7 =	sld [smem:$0x3F9F]  }
0x1a: {  	s8 =	sadd.s32 $0xFFFFE003, lr  }
0x1b: {  	s9 =	sadd.s32 $0xFFFFFEF7, lr;
	s5 =	simm.s32 $0xFFFFFFFF;
	p2 =	slt.u32 s8, $0xFFFFF086  }
0x1c: {  	p1 =	slt.u32 s9, $0xF7A;
	s5 =	simm.s32 @!p2 $0x0  }
0x1d: {  	s5 =	simm.s32 @p1 $0x1;
	p0 =	seq.s32 s7, s2  }
0x1e: {  	s7 =	smul.u32 @!p0 $0xF7A, s2;
	p2 =	seq.s32 @!p0 s5, $0x0  }
0x1f: {  	s9 =	smul.u32 $0xF7A, s1;
	s8 =	simm.s32 @!p0 $0x1BF5;
	p2 =	por !p2, p0  }
0x20: {  	[sflag:s8] =	ssyncset.s32 @!p0 $0xFFFFF086;
	s6 =	sadd.s32 @!p0 s3, s7;
	s7 =	simm.s32 @!p0 $0x108  }
0x21: {  	s3 =	sadd.s32 s3, s9;
	s6 =	sadd.s32 @!p0 $0x88, s6;
	s7 =	simm.s32 @p2 $0x1082  }
0x22: {  	[simem:s7], [sflag:s8] =	dma.local @!p0 [hbm:s6], $0xF7A  }
0x23: {  	s9 =	sor.u32 $0xD0000000, s2;
	s6 =	simm.s32 $0x108;
	_ =	swait.ge @!p0 [sflag:s8], $0x0  }
0x24: {  	s3 =	sadd.s32 $0x88, s3;
	s6 =	simm.s32 @!p1 $0x1082;
	[sflag:s4] =	ssyncset.s32 $0xFFFFF086  }
0x25: {  	[simem:s6], [sflag:s4] =	dma.local [hbm:s3], $0xF7A  }
0x26: {  	[smem:$0x3F9F] =	sst s1;
	(tag) =	ssettag s2;
	_ =	strace s9  }
0x27: {  	s1 =	sld [smem:$0x3FAF]  }
0x28: {  	s2 =	sld [smem:$0x3FB0]  }
0x29: {  	s4 =	sld [smem:$0x3FB2]  }
0x2a: {  	p0 =	seq.s32 s5, $0x0;
	s5 =	sld [smem:$0x3FB3]  }
0x2b: {  	s6 =	sld [smem:$0x3FB4]  }
0x2c: {  	s7 =	sld [smem:$0x3FB5]  }
0x2d: {  	s3 =	simm.s32 $0x108;
	s8 =	sld [smem:$0x3FB6]  }
0x2e: {  	s3 =	simm.s32 @!p0 $0x1082;
	s9 =	sld [smem:$0x3FB7]  }
0x2f: {  	lr =	sadd.s32 s0, s3;
	s0 =	sld [smem:$0x3FAE]  }
0x30: {  	s3 =	sld [smem:$0x3FB1]  }
0x31: {  	[smem:$0x3FBA] =	sst s10  }
0x32: {  	s10 =	sld [smem:$0x3FB8];
	_ =	sdelay $0x3  }
0x33: {  	p0 =	seq.s32 s10, $0x1;
	s10 =	sld [smem:$0x3FBA];
	_ =	sdelay $0x3  }
0x34: {  	[smem:$0x3FBA] =	sst s10  }
0x35: {  	s10 =	sld [smem:$0x3FB9];
	_ =	sdelay $0x3  }
0x36: {  	p1 =	seq.s32 s10, $0x1;
	s10 =	sld [smem:$0x3FBA];
	_ =	sdelay $0x3  }
0x37: {  	[smem:$0x3FBA] =	sst s10  }
0x38: {  	s10 =	sld [smem:$0x3FBB]  }
0x39: {  	_ = 	snop;
	(pc) =	sbr.ind lr, $3  }
0x3a: {  	_ = 	snop  }
0x3b: {  	_ = 	snop  }
0x3c: {  	p2 =	seq.s32 s10, $0x1;
	s10 =	sld [smem:$0x3FBA]  }
0x3d: {  	_ =	shalt  }
0x3e: {  	_ =	shalt  }
0x3f: {  	_ =	shalt  }
0x40: {  	_ =	shalt  }
0x41: {  	_ =	shalt  }
0x42: {  	_ =	shalt  }
0x43: {  	_ =	shalt  }
0x44: {  	_ =	shalt  }
0x45: {  	_ =	shalt  }
0x46: {  	_ =	shalt  }
0x47: {  	_ =	shalt  }
0x48: {  	_ =	shalt  }
0x49: {  	_ =	shalt  }
0x4a: {  	_ =	shalt  }
0x4b: {  	_ =	shalt  }
0x4c: {  	_ =	shalt  }
0x4d: {  	_ =	shalt  }
0x4e: {  	_ =	shalt  }
0x4f: {  	_ =	shalt  }
0x50: {  	_ =	shalt  }
0x51: {  	_ =	shalt  }
0x52: {  	_ =	shalt  }
0x53: {  	_ =	shalt  }
0x54: {  	_ =	shalt  }
0x55: {  	_ =	shalt  }
0x56: {  	_ =	shalt  }
0x57: {  	_ =	shalt  }
0x58: {  	_ =	shalt  }
0x59: {  	_ =	shalt  }
0x5a: {  	_ =	shalt  }
0x5b: {  	_ =	shalt  }
0x5c: {  	_ =	shalt  }
0x5d: {  	_ =	shalt  }
0x5e: {  	_ =	shalt  }
0x5f: {  	_ =	shalt  }
0x60: {  	_ =	shalt  }
0x61: {  	_ =	shalt  }
0x62: {  	_ =	shalt  }
0x63: {  	_ =	shalt  }
0x64: {  	_ =	shalt  }
0x65: {  	_ =	shalt  }
0x66: {  	_ =	shalt  }
0x67: {  	_ =	shalt  }
0x68: {  	_ =	shalt  }
0x69: {  	_ =	shalt  }
0x6a: {  	_ =	shalt  }
0x6b: {  	_ =	shalt  }
0x6c: {  	_ =	shalt  }
0x6d: {  	_ =	shalt  }
0x6e: {  	_ =	shalt  }
0x6f: {  	_ =	shalt  }
0x70: {  	_ =	shalt  }
0x71: {  	_ =	shalt  }
0x72: {  	_ =	shalt  }
0x73: {  	_ =	shalt  }
0x74: {  	_ =	shalt  }
0x75: {  	_ =	shalt  }
0x76: {  	_ =	shalt  }
0x77: {  	_ =	shalt  }
0x78: {  	_ =	shalt  }
0x79: {  	_ =	shalt  }
0x7a: {  	_ =	shalt  }
0x7b: {  	_ =	shalt  }
0x7c: {  	_ =	shalt  }
0x7d: {  	_ =	shalt  }
0x7e: {  	_ =	shalt  }
0x7f: {  	_ =	shalt  }
0x80: {  	_ =	shalt  }
0x81: {  	_ =	shalt  }
0x82: {  	_ =	shalt  }
0x83: {  	_ =	shalt  }
0x84: {  	_ =	shalt  }
0x85: {  	_ =	shalt  }
0x86: {  	_ =	shalt  }
0x87: {  	_ =	shalt  }
.Lfunc_end0:
.L_simem_size_0:
called_computation.1_lowered:
.L_overlay_start_0:
0x88: {  	s2 =	sld [smem:$0x3FD9]  }
0x89: {  	s3 =	sld [smem:$0x3FFE];
	_ =	sdelay $0x1  }
0x8a: {  	s1 =	srdreg.scid  }
0x8b: {  	s0 =	sand.u32 $0x1, s1  }
0x8c: {  	s17 =	sshll.u32 s0, $0xA;
	s2 =	sadd.s32 s3, s2  }
0x8d: {  	s2 =	sadd.s32 s2, s17  }
0x8e: {  	[smem:$0x3FC6] =	sst s2  }
0x8f: {  	_ = 	snop  }
0x90: {  	s2 =	sld [smem:$0x3FC8]  }
0x91: {  	s18 =	sld [smem:$0x3FD0];
	(tm) =	ssettm $0x1  }
0x92: {  	s4 =	sld [smem:$0x3FFB];
	_ =	sdelay $0x3  }
0x93: {  	_ =	strace s4  }
0x94: {  	s4 =	sld [smem:$0x3FFC];
	_ =	sdelay $0x3  }
0x95: {  	_ =	strace s4  }
0x96: {  	s4 =	sld [smem:$0x3FFD];
	_ =	sdelay $0x3  }
0x97: {  	_ =	strace s4  }
0x98: {  	_ =	strace $0x8FFFFFFF  }
0x99: {  	s19 =	sld [smem:$0x3FDB];
	_ =	sdelay $0x1  }
0x9a: {  	s5 =	simm.s32 $_scs_section_size  }
0x9b: {  	s6 =	simm.s32 $_size__tile_overlayer_lowered;
	s7 =	simm.s32 $_tile_overlayer_lowered  }
0x9c: {  	s22 =	simm.s32 $0x1BFF;
	s21 =	sshll.u32 s7, $0x1;
	s4 =	sadd.s32 s5, s19  }
0x9d: {  	s8 =	simm.s32 $0x0;
	s20 =	sshll.u32 s6, $0x1;
	s6 =	sadd.s32 s21, s4  }
0x9e: {  	[timem:s8], [sflag:s22] =	dma.local [hbm:s6], s20  }
0x9f: {  	_ =	swait.ge [sflag:s22], s20  }
0xa0: {  	s5 =	ssub.s32 $0x0, s20;
	[sflag:s22] =	ssyncset.done $0x0  }
0xa1: {  	[sflag:s22] =	ssyncadd.s32 s5;
	_ =	sdelay $0x1  }
0xa2: {  	s23 =	simm.s32 $0x1B8B  }
0xa3: {  	_ =	swait.ge [sflag:s23], $0x1  }
0xa4: {  	[sflag:s23] =	ssyncset.done $0x0  }
0xa5: {  	s25 =	simm.s32 $0x1B8E;
	s24 =	sld [smem:$0x3FFE];
	[sflag:s23] =	ssyncadd.s32 $0xFFFFFFFF  }
0xa6: {  	s26 =	simm.s32 $execute0_lowered;
	[smem:$0x3FD2] =	sst s25  }
0xa7: {  	s6 =	sshll.u32 s26, $0x1;
	_ =	strace $0x80000049;
	[dreg:$0x1] =	wrdreg $0xFFFFFFFF  }
0xa8: {  	s28 =	simm.s32 $_size_execute0_lowered;
	s4 =	sadd.s32 s4, s6;
	[dreg:$0x0] =	wrdreg $0x0  }
0xa9: {  	s6 =	sshll.u32 s28, $0x1;
	[dreg:$0x2] =	wrdreg s4  }
0xaa: {  	[dreg:$0x3] =	wrdreg s6  }
0xab: {  	[dreg:$0x4] =	wrdreg $0xC0  }
0xac: {  	_ =	task [dreg:s8], $0x5FFFF  }
0xad: {  	[dreg:$0x1] =	wrdreg $0xFFFFFFFF  }
0xae: {  	[dreg:$0x0] =	wrdreg $0x60  }
0xaf: {  	[dreg:$0x2] =	wrdreg s24  }
0xb0: {  	[dreg:$0x3] =	wrdreg s2  }
0xb1: {  	[dreg:$0x4] =	wrdreg s18  }
0xb2: {  	[dreg:$0x5] =	wrdreg $0x9  }
0xb3: {  	_ =	task.clear_ibuf [dreg:s8], $0x6FFFF;
	_ =	strace $0x90000049  }
0xb4: {  	s29 =	simm.s32 $0x9;
	_ =	strace $0x8000004B  }
0xb5: {  	_ =	swait.ge [sflag:s29], $0x1  }
0xb6: {  	[sflag:s29] =	ssyncadd.s32 $0xFFFFFFFF  }
0xb7: {  	_ =	strace $0x9000004B  }
0xb8: {  	_ =	sfence  }
0xb9: {  	s30 =	sld [smem:$0x0];
	_ =	sdelay $0x2  }
0xba: {  	s31 =	sshll.u32 s1, $0xD;
	s1 =	sshrl.u32 s1, $0x2  }
0xbb: {  	s3 =	sand.u32 $0x4000, s31;
	s1 =	sadd.s32 s1, s30  }
0xbc: {  	s0 =	sor.u32 s3, s0;
	s1 =	sshll.u32 s1, $0x11  }
0xbd: {  	s0 =	sor.u32 s1, s0  }
0xbe: {  	s0 =	sadd.s32 $0x8F2B, s0  }
0xbf: {  	[sflag:s0] =	ssyncadd.remote.s32 $0x1  }
0xc0: {  	_ =	sfence.sel $0xFFFF  }
0xc1: {  	[dreg:$0x0] =	wrdreg $0xFFFFFFFF;
	(pc) =	sbr.abs _section_cstart, $3  }
0xc2: {  	[dreg:$0x1] =	wrdreg $0xFFFFFFFF  }
0xc3: {  	_ =	task.clear_ibuf [dreg:s8], $0x2FFFF;
	_ =	strace $0x9FFFFFFF  }
0xc4: {  	(tm) =	ssettm $0x7FFFFFFF  }
0xc5: {  	_ =	shalt  }
tec
execute0_lowered:
.L_overlay_start_1:
0x0: {  	(tag) =	ssettag $0x1  }
0x1: {  	s4 =	rddreg [dreg:$0x0]  }
0x2: {  	s1 =	rddreg [dreg:$0x1]  }
0x3: {  	s5 =	rddreg [dreg:$0x2]  }
0x4: {  	s0 =	rddreg [dreg:$0x3]  }
0x5: {  	s3 =	simm.s32 $0x0;
	s6 =	srdreg.scid;
	s2 =	stileid.u32  }
0x6: {  	s11 =	simm.s32 $0x1;
	s12 =	simm.s32 $0x2;
	s13 =	simm.s32 $0x400  }
0x7: {  	s14 =	simm.s32 $0x10080;
	s15 =	simm.s32 $0x0;
	[smem:$0x7FF] =	sst s3  }
0x8: {  	s7 =	sand.u32 $0x1, s6;
	s8 =	sadd.s32 $0x800, s4;
	s28 =	sshll.u32 s2, $0x1  }
0x9: {  	s10 =	sshll.u32 s2, $0xD;
	s31 =	sshll.u32 s2, $0x13;
	_ =	strace $0x8000004A  }
0xa: {  	s26 =	ssub.s32 $0x2, s7;
	s6 =	sor.u32 s7, s28;
	s29 =	sand.u32 $0x18000, s10  }
0xb: {  	s7 =	sshll.u32 s7, $0x12;
	s9 =	sshrl.u32 s26, $0x1;
	s30 =	sshll.u32 s6, $0x4  }
0xc: {  	s6 =	sshll.u32 s6, $0x12;
	s5 =	sadd.s32 s5, s29;
	s9 =	ssub.s32 s26, s9  }
0xd: {  	s10 =	sand.u32 $0x70, s30;
	s4 =	sadd.s32 s8, s6;
	s8 =	sadd.s32 s31, s8  }
0xe: {  	s5 =	sadd.s32 s10, s5;
	s6 =	smax.u32 s9, $0x1;
	s7 =	sadd.s32 s7, s8  }
0xf: {  	s8 =	simm.s32 $0x3;
	s9 =	simm.s32 $0x80;
	s10 =	simm.s32 $0x8080  }
.LBB2_1:
0x10: {  	[tilespmem:s3], [sflag:$0x3] =	stream.linear.gather [hbm4b:s1+s3], $0x80, $0x38;
	[tilespmem:$0x18080] =	vst v63  }
0x11: {  	_ =	swait.ge [sflag:s8], $0x80  }
0x12: {  	[sflag:s8] =	ssyncset.done $0x0  }
0x13: {  	[sflag:s8] =	ssyncadd.s32 $0xFFFFFF80  }
0x14: {  	v0 =	vld [tilespmem:$0x0]  }
0x15: {  	v1 =	vld [tilespmem:$0x10]  }
0x16: {  	v2 =	vld [tilespmem:$0x20]  }
0x17: {  	v3 =	vld [tilespmem:$0x30];
	_ =	sdelay $0x3  }
0x18: {  	v4 =	vadd.s32 $0x1000, v0  }
0x19: {  	v5 =	vadd.s32 $0x1000, v1;
	v6 =	vadd.s32 $0x1000, v2;
	v7 =	vadd.s32 $0x1000, v3  }
0x1a: {  	v8 =	vadd.s32 $0x2000, v0;
	v9 =	vadd.s32 $0x2000, v1;
	v10 =	vadd.s32 $0x2000, v2  }
0x1b: {  	v11 =	vadd.s32 $0x2000, v3;
	v12 =	vadd.s32 $0x3000, v0;
	v13 =	vadd.s32 $0x3000, v1  }
0x1c: {  	v14 =	vadd.s32 $0x3000, v2;
	v15 =	vadd.s32 $0x3000, v3;
	v16 =	vadd.s32 $0x4000, v0  }
0x1d: {  	v17 =	vadd.s32 $0x4000, v1;
	v18 =	vadd.s32 $0x4000, v2;
	v19 =	vadd.s32 $0x4000, v3  }
0x1e: {  	v20 =	vadd.s32 $0x5000, v0;
	v21 =	vadd.s32 $0x5000, v1;
	v22 =	vadd.s32 $0x5000, v2  }
0x1f: {  	v23 =	vadd.s32 $0x5000, v3;
	v24 =	vadd.s32 $0x6000, v0;
	v25 =	vadd.s32 $0x6000, v1  }
0x20: {  	s16 =	simm.s32 $0x10280;
	s17 =	simm.s32 $0x0;
	v26 =	vadd.s32 $0x6000, v2;
	v27 =	vadd.s32 $0x6000, v3;
	v28 =	vadd.s32 $0x7000, v0  }
0x21: {  	[tilespmem:s9], [sflag:$0x1] =	stream.linear.gather [hbm4b:s4+s3], $0x8000, $0x38;
	v29 =	vadd.s32 $0x7000, v1;
	v30 =	vadd.s32 $0x7000, v2;
	v31 =	vadd.s32 $0x7000, v3;
	[tilespmem:$0x18080] =	vst v63  }
.LBB2_2:
0x22: {  	s18 =	sadd.s32 s17, s7  }
0x23: {  	s18 =	sadd.s32 $0x1000, s18  }
0x24: {  	[tilespmem:s10], [sflag:$0x2] =	stream.linear.gather [hbm4b:s18+s3], $0x8000, $0x38;
	[tilespmem:$0x18080] =	vst v63  }
0x25: {  	_ =	swait.ge [sflag:s11], $0x8000  }
0x26: {  	[sflag:s11] =	ssyncset.done $0x0  }
0x27: {  	[sflag:s11] =	ssyncadd.s32 $0xFFFF8000  }
0x28: {  	v32 =	vld.idx.msk [tilespmem:v0+s9+$0x0], $0xffff;
	_ =	sdelay $0x4  }
0x29: {  	[tilespmem:s16+$0xFFFFFE00] =	vst v32  }
0x2a: {  	v32 =	vld.idx.msk [tilespmem:v1+s9+$0x0], $0xffff;
	_ =	sdelay $0x4  }
0x2b: {  	[tilespmem:s16+$0xFFFFFE10] =	vst v32  }
0x2c: {  	v32 =	vld.idx.msk [tilespmem:v2+s9+$0x0], $0xffff;
	_ =	sdelay $0x4  }
0x2d: {  	[tilespmem:s16+$0xFFFFFE20] =	vst v32  }
0x2e: {  	v32 =	vld.idx.msk [tilespmem:v3+s9+$0x0], $0xffff;
	_ =	sdelay $0x4  }
0x2f: {  	[tilespmem:s16+$0xFFFFFE30] =	vst v32  }
0x30: {  	v32 =	vld.idx.msk [tilespmem:v4+s9+$0x0], $0xffff;
	_ =	sdelay $0x4  }
0x31: {  	[tilespmem:s16+$0xFFFFFE40] =	vst v32  }
0x32: {  	v32 =	vld.idx.msk [tilespmem:v5+s9+$0x0], $0xffff;
	_ =	sdelay $0x4  }
0x33: {  	[tilespmem:s16+$0xFFFFFE50] =	vst v32  }
0x34: {  	v32 =	vld.idx.msk [tilespmem:v6+s9+$0x0], $0xffff;
	_ =	sdelay $0x4  }
0x35: {  	[tilespmem:s16+$0xFFFFFE60] =	vst v32  }
0x36: {  	v32 =	vld.idx.msk [tilespmem:v7+s9+$0x0], $0xffff;
	_ =	sdelay $0x4  }
0x37: {  	[tilespmem:s16+$0xFFFFFE70] =	vst v32  }
0x38: {  	v32 =	vld.idx.msk [tilespmem:v8+s9+$0x0], $0xffff;
	_ =	sdelay $0x4  }
0x39: {  	[tilespmem:s16+$0xFFFFFE80] =	vst v32  }
0x3a: {  	v32 =	vld.idx.msk [tilespmem:v9+s9+$0x0], $0xffff;
	_ =	sdelay $0x4  }
0x3b: {  	[tilespmem:s16+$0xFFFFFE90] =	vst v32  }
0x3c: {  	v32 =	vld.idx.msk [tilespmem:v10+s9+$0x0], $0xffff;
	_ =	sdelay $0x4  }
0x3d: {  	[tilespmem:s16+$0xFFFFFEA0] =	vst v32  }
0x3e: {  	v32 =	vld.idx.msk [tilespmem:v11+s9+$0x0], $0xffff;
	_ =	sdelay $0x4  }
0x3f: {  	[tilespmem:s16+$0xFFFFFEB0] =	vst v32  }
0x40: {  	v32 =	vld.idx.msk [tilespmem:v12+s9+$0x0], $0xffff;
	_ =	sdelay $0x4  }
0x41: {  	[tilespmem:s16+$0xFFFFFEC0] =	vst v32  }
0x42: {  	v32 =	vld.idx.msk [tilespmem:v13+s9+$0x0], $0xffff;
	_ =	sdelay $0x4  }
0x43: {  	[tilespmem:s16+$0xFFFFFED0] =	vst v32  }
0x44: {  	v32 =	vld.idx.msk [tilespmem:v14+s9+$0x0], $0xffff;
	_ =	sdelay $0x4  }
0x45: {  	[tilespmem:s16+$0xFFFFFEE0] =	vst v32  }
0x46: {  	v32 =	vld.idx.msk [tilespmem:v15+s9+$0x0], $0xffff;
	_ =	sdelay $0x4  }
0x47: {  	[tilespmem:s16+$0xFFFFFEF0] =	vst v32  }
0x48: {  	v32 =	vld.idx.msk [tilespmem:v16+s9+$0x0], $0xffff;
	_ =	sdelay $0x4  }
0x49: {  	[tilespmem:s16+$0xFFFFFF00] =	vst v32  }
0x4a: {  	v32 =	vld.idx.msk [tilespmem:v17+s9+$0x0], $0xffff;
	_ =	sdelay $0x4  }
0x4b: {  	[tilespmem:s16+$0xFFFFFF10] =	vst v32  }
0x4c: {  	v32 =	vld.idx.msk [tilespmem:v18+s9+$0x0], $0xffff;
	_ =	sdelay $0x4  }
0x4d: {  	[tilespmem:s16+$0xFFFFFF20] =	vst v32  }
0x4e: {  	v32 =	vld.idx.msk [tilespmem:v19+s9+$0x0], $0xffff;
	_ =	sdelay $0x4  }
0x4f: {  	[tilespmem:s16+$0xFFFFFF30] =	vst v32  }
0x50: {  	v32 =	vld.idx.msk [tilespmem:v20+s9+$0x0], $0xffff;
	_ =	sdelay $0x4  }
0x51: {  	[tilespmem:s16+$0xFFFFFF40] =	vst v32  }
0x52: {  	v32 =	vld.idx.msk [tilespmem:v21+s9+$0x0], $0xffff;
	_ =	sdelay $0x4  }
0x53: {  	[tilespmem:s16+$0xFFFFFF50] =	vst v32  }
0x54: {  	v32 =	vld.idx.msk [tilespmem:v22+s9+$0x0], $0xffff;
	_ =	sdelay $0x4  }
0x55: {  	[tilespmem:s16+$0xFFFFFF60] =	vst v32  }
0x56: {  	v32 =	vld.idx.msk [tilespmem:v23+s9+$0x0], $0xffff;
	_ =	sdelay $0x4  }
0x57: {  	[tilespmem:s16+$0xFFFFFF70] =	vst v32  }
0x58: {  	v32 =	vld.idx.msk [tilespmem:v24+s9+$0x0], $0xffff;
	_ =	sdelay $0x4  }
0x59: {  	[tilespmem:s16+$0xFFFFFF80] =	vst v32  }
0x5a: {  	v32 =	vld.idx.msk [tilespmem:v25+s9+$0x0], $0xffff;
	_ =	sdelay $0x4  }
0x5b: {  	[tilespmem:s16+$0xFFFFFF90] =	vst v32  }
0x5c: {  	v32 =	vld.idx.msk [tilespmem:v26+s9+$0x0], $0xffff;
	_ =	sdelay $0x4  }
0x5d: {  	[tilespmem:s16+$0xFFFFFFA0] =	vst v32  }
0x5e: {  	v32 =	vld.idx.msk [tilespmem:v27+s9+$0x0], $0xffff;
	_ =	sdelay $0x4  }
0x5f: {  	[tilespmem:s16+$0xFFFFFFB0] =	vst v32  }
0x60: {  	v32 =	vld.idx.msk [tilespmem:v28+s9+$0x0], $0xffff;
	_ =	sdelay $0x4  }
0x61: {  	[tilespmem:s16+$0xFFFFFFC0] =	vst v32  }
0x62: {  	v32 =	vld.idx.msk [tilespmem:v29+s9+$0x0], $0xffff;
	_ =	sdelay $0x4  }
0x63: {  	[tilespmem:s16+$0xFFFFFFD0] =	vst v32  }
0x64: {  	v32 =	vld.idx.msk [tilespmem:v30+s9+$0x0], $0xffff;
	_ =	sdelay $0x4  }
0x65: {  	[tilespmem:s16+$0xFFFFFFE0] =	vst v32  }
0x66: {  	v32 =	vld.idx.msk [tilespmem:v31+s9+$0x0], $0xffff;
	_ =	sdelay $0x2  }
0x67: {  	p0 =	seq.s32 s17, $0x3E000  }
0x68: {  	s18 =	sadd.s32 @!p0 s17, s7  }
0x69: {  	s19 =	simm.s32 @!p0 $0x0;
	s20 =	simm.s32 @!p0 $0x80;
	s18 =	sadd.s32 @!p0 $0x2000, s18;
	[tilespmem:s16+$0xFFFFFFF0] =	vst v32  }
0x6a: {  	[tilespmem:s20], [sflag:$0x1] =	stream.linear.gather @!p0 [hbm4b:s18+s19], $0x8000, $0x38;
	[tilespmem:$0x18080] =	vst v63  }
0x6b: {  	_ =	swait.ge [sflag:s12], $0x8000  }
0x6c: {  	[sflag:s12] =	ssyncset.done $0x0  }
0x6d: {  	[sflag:s12] =	ssyncadd.s32 $0xFFFF8000  }
0x6e: {  	v63 =	vld.idx.msk [tilespmem:v0+s10+$0x0], $0xffff;
	_ =	sdelay $0x4  }
0x6f: {  	[tilespmem:s16+$0x0] =	vst v63  }
0x70: {  	v32 =	vld.idx.msk [tilespmem:v1+s10+$0x0], $0xffff;
	_ =	sdelay $0x4  }
0x71: {  	[tilespmem:s16+$0x10] =	vst v32  }
0x72: {  	v32 =	vld.idx.msk [tilespmem:v2+s10+$0x0], $0xffff;
	_ =	sdelay $0x4  }
0x73: {  	[tilespmem:s16+$0x20] =	vst v32  }
0x74: {  	v32 =	vld.idx.msk [tilespmem:v3+s10+$0x0], $0xffff;
	_ =	sdelay $0x4  }
0x75: {  	[tilespmem:s16+$0x30] =	vst v32  }
0x76: {  	v32 =	vld.idx.msk [tilespmem:v4+s10+$0x0], $0xffff;
	_ =	sdelay $0x4  }
0x77: {  	[tilespmem:s16+$0x40] =	vst v32  }
0x78: {  	v32 =	vld.idx.msk [tilespmem:v5+s10+$0x0], $0xffff;
	_ =	sdelay $0x4  }
0x79: {  	[tilespmem:s16+$0x50] =	vst v32  }
0x7a: {  	v32 =	vld.idx.msk [tilespmem:v6+s10+$0x0], $0xffff;
	_ =	sdelay $0x4  }
0x7b: {  	[tilespmem:s16+$0x60] =	vst v32  }
0x7c: {  	v32 =	vld.idx.msk [tilespmem:v7+s10+$0x0], $0xffff;
	_ =	sdelay $0x4  }
0x7d: {  	[tilespmem:s16+$0x70] =	vst v32  }
0x7e: {  	v32 =	vld.idx.msk [tilespmem:v8+s10+$0x0], $0xffff;
	_ =	sdelay $0x4  }
0x7f: {  	[tilespmem:s16+$0x80] =	vst v32  }
0x80: {  	v32 =	vld.idx.msk [tilespmem:v9+s10+$0x0], $0xffff;
	_ =	sdelay $0x4  }
0x81: {  	[tilespmem:s16+$0x90] =	vst v32  }
0x82: {  	v32 =	vld.idx.msk [tilespmem:v10+s10+$0x0], $0xffff;
	_ =	sdelay $0x4  }
0x83: {  	[tilespmem:s16+$0xA0] =	vst v32  }
0x84: {  	v32 =	vld.idx.msk [tilespmem:v11+s10+$0x0], $0xffff;
	_ =	sdelay $0x4  }
0x85: {  	[tilespmem:s16+$0xB0] =	vst v32  }
0x86: {  	v32 =	vld.idx.msk [tilespmem:v12+s10+$0x0], $0xffff;
	_ =	sdelay $0x4  }
0x87: {  	[tilespmem:s16+$0xC0] =	vst v32  }
0x88: {  	v32 =	vld.idx.msk [tilespmem:v13+s10+$0x0], $0xffff;
	_ =	sdelay $0x4  }
0x89: {  	[tilespmem:s16+$0xD0] =	vst v32  }
0x8a: {  	v32 =	vld.idx.msk [tilespmem:v14+s10+$0x0], $0xffff;
	_ =	sdelay $0x4  }
0x8b: {  	[tilespmem:s16+$0xE0] =	vst v32  }
0x8c: {  	v32 =	vld.idx.msk [tilespmem:v15+s10+$0x0], $0xffff;
	_ =	sdelay $0x4  }
0x8d: {  	[tilespmem:s16+$0xF0] =	vst v32  }
0x8e: {  	v32 =	vld.idx.msk [tilespmem:v16+s10+$0x0], $0xffff;
	_ =	sdelay $0x4  }
0x8f: {  	[tilespmem:s16+$0x100] =	vst v32  }
0x90: {  	v32 =	vld.idx.msk [tilespmem:v17+s10+$0x0], $0xffff;
	_ =	sdelay $0x4  }
0x91: {  	[tilespmem:s16+$0x110] =	vst v32  }
0x92: {  	v32 =	vld.idx.msk [tilespmem:v18+s10+$0x0], $0xffff;
	_ =	sdelay $0x4  }
0x93: {  	[tilespmem:s16+$0x120] =	vst v32  }
0x94: {  	v32 =	vld.idx.msk [tilespmem:v19+s10+$0x0], $0xffff;
	_ =	sdelay $0x4  }
0x95: {  	[tilespmem:s16+$0x130] =	vst v32  }
0x96: {  	v32 =	vld.idx.msk [tilespmem:v20+s10+$0x0], $0xffff;
	_ =	sdelay $0x4  }
0x97: {  	[tilespmem:s16+$0x140] =	vst v32  }
0x98: {  	v32 =	vld.idx.msk [tilespmem:v21+s10+$0x0], $0xffff;
	_ =	sdelay $0x4  }
0x99: {  	[tilespmem:s16+$0x150] =	vst v32  }
0x9a: {  	v32 =	vld.idx.msk [tilespmem:v22+s10+$0x0], $0xffff;
	_ =	sdelay $0x4  }
0x9b: {  	[tilespmem:s16+$0x160] =	vst v32  }
0x9c: {  	v32 =	vld.idx.msk [tilespmem:v23+s10+$0x0], $0xffff;
	_ =	sdelay $0x4  }
0x9d: {  	[tilespmem:s16+$0x170] =	vst v32  }
0x9e: {  	v32 =	vld.idx.msk [tilespmem:v24+s10+$0x0], $0xffff;
	_ =	sdelay $0x4  }
0x9f: {  	[tilespmem:s16+$0x180] =	vst v32  }
0xa0: {  	v32 =	vld.idx.msk [tilespmem:v25+s10+$0x0], $0xffff;
	_ =	sdelay $0x4  }
0xa1: {  	[tilespmem:s16+$0x190] =	vst v32  }
0xa2: {  	v32 =	vld.idx.msk [tilespmem:v26+s10+$0x0], $0xffff;
	_ =	sdelay $0x4  }
0xa3: {  	[tilespmem:s16+$0x1A0] =	vst v32  }
0xa4: {  	v32 =	vld.idx.msk [tilespmem:v27+s10+$0x0], $0xffff;
	_ =	sdelay $0x4  }
0xa5: {  	[tilespmem:s16+$0x1B0] =	vst v32  }
0xa6: {  	v32 =	vld.idx.msk [tilespmem:v28+s10+$0x0], $0xffff;
	_ =	sdelay $0x4  }
0xa7: {  	[tilespmem:s16+$0x1C0] =	vst v32  }
0xa8: {  	v32 =	vld.idx.msk [tilespmem:v29+s10+$0x0], $0xffff;
	_ =	sdelay $0x4  }
0xa9: {  	[tilespmem:s16+$0x1D0] =	vst v32  }
0xaa: {  	v32 =	vld.idx.msk [tilespmem:v30+s10+$0x0], $0xffff;
	_ =	sdelay $0x4  }
0xab: {  	s17 =	sadd.s32 $0x2000, s17;
	[tilespmem:s16+$0x1E0] =	vst v32  }
0xac: {  	p0 =	sne.s32 s17, $0x40000;
	v32 =	vld.idx.msk [tilespmem:v31+s10+$0x0], $0xffff  }
.Ltmp0:
0xad: {  	_ = 	snop;
	(pc) =	sbr.rel @p0 .LBB2_2-.Ltmp0, $2  }
0xae: {  	_ =	sdelay $0x2  }
0xaf: {  	[tilespmem:s16+$0x1F0] =	vst v32;
	s16 =	sadd.s32 $0x400, s16  }
0xb0: {  	s15 =	sadd.s32 $0x1, s15  }
0xb1: {  	p0 =	sne.s32 s15, s6  }
.Ltmp1:
0xb2: {  	_ = 	snop;
	(pc) =	sbr.rel @p0 .LBB2_1-.Ltmp1, $4  }
0xb3: {  	[hbm4b:s5+s9] =	stream.strided.scatter [tilespmem:s14], [sflag:$0x3], $0x8000, s13, s9, $0x38;
	[tilespmem:$0x18080] =	vst v63  }
0xb4: {  	_ =	swait.ge [sflag:s8], $0x8000  }
0xb5: {  	[sflag:s8] =	ssyncset.done $0x0  }
0xb6: {  	[sflag:s8] =	ssyncadd.s32 $0xFFFF8000  }
0xb7: {  	_ =	sfence.sel $0x180000  }
0xb8: {  	[bflag:$0x0] =	sbarrier.arrive $0xFFFF  }
0xb9: {  	p0 =	sne.s32 s2, $0x0;
	_ =	strace $0x9000004A  }
0xba: {  	s0 =	sadd.s32 @!p0 $0x100000, s0;
	[bflag:$0x2] =	sbarrier.arrive $0xFFFF  }
0xbb: {  	[sflag:s0] =	ssyncadd.tile.s32 @!p0 $0x1;
	_ =	shalt  }
.Lfunc_end2:
_tile_overlayer_lowered:
.L_overlay_start_2:
0xbc: {  	(tag) =	ssettag $0x2  }
0xbd: {  	s0 =	rddreg [dreg:$0x0];
	s2 =	stileid.u32  }
0xbe: {  	s1 =	rddreg [dreg:$0x1];
	p0 =	sne.s32 s2, $0x0  }
0xbf: {  	s3 =	rddreg [dreg:$0x2];
	[bflag:$0x3] =	sbarrier.arrive $0xFFFF;
	s2 =	simm.s32 @!p0 $0x1C03  }
0xc0: {  	[timem:s3], [sflag:s2] =	dma.local @!p0 [hbm:s0], s1  }
0xc1: {  	s0 =	simm.s32 @!p0 $0x3  }
0xc2: {  	_ =	swait.ge @!p0 [sflag:s0], s1  }
0xc3: {  	s1 =	ssub.s32 @!p0 $0x0, s1;
	[sflag:s0] =	ssyncset.done @!p0 $0x0  }
0xc4: {  	[sflag:s0] =	ssyncadd.s32 @!p0 s1  }
0xc5: {  	[bflag:$0x3] =	sbarrier.arrive $0xFFFF  }
0xc6: {  	_ =	shalt  }

// kernel: sparse-core-data-format-call.cloned.1.call-start
scs
called_computation_lowered:
.L_overlay_start_0:
0x0: {  	s2 =	sld [smem:$0x3FD9]  }
0x1: {  	s3 =	sld [smem:$0x3FFE];
	_ =	sdelay $0x1  }
0x2: {  	s1 =	srdreg.scid  }
0x3: {  	s0 =	sand.u32 $0x1, s1  }
0x4: {  	s18 =	sshll.u32 s0, $0xA;
	s2 =	sadd.s32 s3, s2  }
0x5: {  	s2 =	sadd.s32 s2, s18  }
0x6: {  	[smem:$0x3FC6] =	sst s2  }
0x7: {  	_ = 	snop  }
0x8: {  	s2 =	sld [smem:$0x3FC9];
	(tm) =	ssettm $0x1  }
0x9: {  	s19 =	sld [smem:$0x3FFB];
	_ =	sdelay $0x3  }
0xa: {  	_ =	strace s19  }
0xb: {  	s3 =	sld [smem:$0x3FFC];
	_ =	sdelay $0x3  }
0xc: {  	_ =	strace s3  }
0xd: {  	s3 =	sld [smem:$0x3FFD];
	_ =	sdelay $0x3  }
0xe: {  	_ =	strace s3  }
0xf: {  	_ =	strace $0x8FFFFFFF  }
0x10: {  	s20 =	sld [smem:$0x3FDB];
	_ =	sdelay $0x1  }
0x11: {  	s4 =	simm.s32 $_scs_section_size  }
0x12: {  	s5 =	simm.s32 $_size__tile_overlayer_lowered;
	s6 =	simm.s32 $_tile_overlayer_lowered  }
0x13: {  	s23 =	simm.s32 $0x1BFF;
	s22 =	sshll.u32 s6, $0x1;
	s3 =	sadd.s32 s4, s20  }
0x14: {  	s7 =	simm.s32 $0x0;
	s21 =	sshll.u32 s5, $0x1;
	s5 =	sadd.s32 s22, s3  }
0x15: {  	[timem:s7], [sflag:s23] =	dma.local [hbm:s5], s21  }
0x16: {  	_ =	swait.ge [sflag:s23], s21  }
0x17: {  	s4 =	ssub.s32 $0x0, s21;
	[sflag:s23] =	ssyncset.done $0x0  }
0x18: {  	[sflag:s23] =	ssyncadd.s32 s4;
	_ =	sdelay $0x1  }
0x19: {  	s24 =	simm.s32 $0x1B8B  }
0x1a: {  	_ =	swait.ge [sflag:s24], $0x1  }
0x1b: {  	[sflag:s24] =	ssyncset.done $0x0  }
0x1c: {  	s26 =	simm.s32 $0x1B8E;
	s25 =	sld [smem:$0x3FFE];
	[sflag:s24] =	ssyncadd.s32 $0xFFFFFFFF  }
0x1d: {  	s27 =	simm.s32 $execute0_lowered;
	[smem:$0x3FD2] =	sst s26  }
0x1e: {  	s5 =	sshll.u32 s27, $0x1;
	_ =	strace $0x80000046;
	[dreg:$0x1] =	wrdreg $0xFFFFFFFF  }
0x1f: {  	s28 =	simm.s32 $_size_execute0_lowered;
	s3 =	sadd.s32 s3, s5;
	[dreg:$0x0] =	wrdreg $0x0  }
0x20: {  	s5 =	sshll.u32 s28, $0x1;
	[dreg:$0x2] =	wrdreg s3  }
0x21: {  	[dreg:$0x3] =	wrdreg s5  }
0x22: {  	[dreg:$0x4] =	wrdreg $0xC0  }
0x23: {  	_ =	task [dreg:s7], $0x5FFFF  }
0x24: {  	[dreg:$0x1] =	wrdreg $0xFFFFFFFF  }
0x25: {  	[dreg:$0x0] =	wrdreg $0x60  }
0x26: {  	[dreg:$0x2] =	wrdreg s2  }
0x27: {  	[dreg:$0x3] =	wrdreg s25  }
0x28: {  	[dreg:$0x4] =	wrdreg $0x9  }
0x29: {  	_ =	task.clear_ibuf [dreg:s7], $0x5FFFF;
	_ =	strace $0x90000046  }
0x2a: {  	s29 =	simm.s32 $0x9;
	_ =	strace $0x80000048  }
0x2b: {  	_ =	swait.ge [sflag:s29], $0x1  }
0x2c: {  	[sflag:s29] =	ssyncadd.s32 $0xFFFFFFFF  }
0x2d: {  	_ =	strace $0x90000048  }
0x2e: {  	_ =	sfence  }
0x2f: {  	s30 =	sld [smem:$0x0];
	_ =	sdelay $0x2  }
0x30: {  	s31 =	sshll.u32 s1, $0xD;
	s1 =	sshrl.u32 s1, $0x2  }
0x31: {  	s3 =	sand.u32 $0x4000, s31;
	s1 =	sadd.s32 s1, s30  }
0x32: {  	s0 =	sor.u32 s3, s0;
	s1 =	sshll.u32 s1, $0x11  }
0x33: {  	s0 =	sor.u32 s1, s0  }
0x34: {  	s0 =	sadd.s32 $0x8F2B, s0  }
0x35: {  	[sflag:s0] =	ssyncadd.remote.s32 $0x1  }
0x36: {  	_ =	sfence.sel $0xFFFF  }
0x37: {  	[dreg:$0x0] =	wrdreg $0xFFFFFFFF;
	(pc) =	sbr.abs _section_cstart, $3  }
0x38: {  	[dreg:$0x1] =	wrdreg $0xFFFFFFFF  }
0x39: {  	_ =	task.clear_ibuf [dreg:s7], $0x2FFFF;
	_ =	strace $0x9FFFFFFF  }
0x3a: {  	(tm) =	ssettm $0x7FFFFFFF  }
0x3b: {  	_ =	shalt  }
tec
execute0_lowered:
.L_overlay_start_1:
0x0: {  	(tag) =	ssettag $0x1  }
0x1: {  	s2 =	rddreg [dreg:$0x0]  }
0x2: {  	s1 =	rddreg [dreg:$0x1]  }
0x3: {  	s0 =	rddreg [dreg:$0x2];
	_ =	strace $0x80000047;
	s4 =	srdreg.scid  }
0x4: {  	s6 =	simm.s32 $0x2;
	s11 =	simm.s32 $0x0;
	p0 =	por $0x0, $0x0  }
.Ltmp0:
0x5: {  	s7 =	simm.s32 $0x1000;
	s12 =	simm.s32 $0x0;
	(pc) =	sbr.rel .LBB1_1-.Ltmp0, $4  }
0x6: {  	s9 =	simm.s32 $0x0;
	s3 =	sadd.s32 $0x800, s1;
	s5 =	sshll.u32 s4, $0x4  }
0x7: {  	s1 =	stileid.u32;
	s4 =	simm.s32 $0x1;
	s5 =	sand.u32 $0x10, s5  }
0x8: {  	s8 =	simm.s32 $0x0;
	[sflag:s4] =	ssyncpa.u1 $0x0;
	s5 =	sor.u32 s1, s5  }
0x9: {  	[sflag:s6] =	ssyncpa.u1 $0x0;
	s6 =	simm.s32 $0x800;
	s10 =	smov.u32 s5  }
.LBB1_7:
0xa: {  	s13 =	sadd.s32 $0x10, s9  }
0xb: {  	s11 =	sadd.s32 $0x20, s10;
	s15 =	smov.u32 s10;
	p2 =	sgt.s32 s13, $0x1F  }
0xc: {  	p1 =	slt.u32 s8, $0x2;
	s15 =	smov.u32 @p2 s11  }
0xd: {  	s8 =	sadd.s32 $0x1, s8;
	s13 =	simm.s32 @p2 $0x0;
	p2 =	sgt.s32 s15, $0x7FF  }
0xe: {  	s15 =	smov.u32 @p2 s5;
	p2 =	sne.s32 s8, $0x82  }
.Ltmp1:
0xf: {  	_ = 	snop;
	(pc) =	sbr.rel @!p2 .LBB1_8-.Ltmp1, $4  }
0x10: {  	s14 =	simm.s32 @!p1 $0x2  }
0x11: {  	s12 =	smov.u32 s10;
	_ =	swait.ge @!p1 [sflag:s14], $0x4000  }
0x12: {  	p0 =	por !p0, !p0;
	s11 =	smov.u32 s9;
	[sflag:s14] =	ssyncset.done @!p1 $0x0  }
0x13: {  	s9 =	smov.u32 s13;
	[sflag:s14] =	ssyncadd.s32 @!p1 $0xFFFFC000;
	s10 =	smov.u32 s15  }
.LBB1_1:
0x14: {  	p1 =	sgt.u32 s8, $0x7F  }
0x15: {  	s13 =	sxor.u32 @!p1 $0xFFFFFFFF, s8;
	s14 =	sshll.u32 @!p1 s10, $0xC  }
0x16: {  	s15 =	sshll.u32 @!p1 s9, $0x7;
	s13 =	sshll.u32 @!p1 s13, $0xE;
	s14 =	sadd.s32 @!p1 s2, s14  }
0x17: {  	s13 =	sand.u32 @!p1 $0x4000, s13;
	s14 =	sadd.s32 @!p1 s15, s14;
	s15 =	simm.s32 @!p1 $0x0  }
0x18: {  	[tilespmem:s13], [sflag:$0x1] =	stream.linear.gather @!p1 [hbm4b:s14+s15], $0x4000, $0x38;
	[tilespmem:$0x10000] =	vst v63  }
0x19: {  	p1 =	seq.s32 s8, $0x0  }
0x1a: {  	p2 =	seq.s32 @!p1 s8, $0x81  }
0x1b: {  	p1 =	por p1, p2  }
.Ltmp2:
0x1c: {  	_ = 	snop;
	(pc) =	sbr.rel @p1 .LBB1_7-.Ltmp2, $1  }
0x1d: {  	_ =	sdelay $0x3  }
0x1e: {  	s13 =	simm.s32 $0x1;
	_ =	swait.ge [sflag:s4], $0x4000;
	s16 =	sshll.u32 s8, $0xE  }
0x1f: {  	s13 =	simm.s32 @!p0 $0x0;
	[sflag:s4] =	ssyncset.done $0x0;
	s31 =	sand.u32 $0x4000, s16  }
0x20: {  	s16 =	simm.s32 $0x0;
	s14 =	sshll.u32 s13, $0xE;
	[sflag:s4] =	ssyncadd.s32 $0xFFFFC000  }
0x21: {  	s13 =	sor.u32 $0x8040, s14;
	s15 =	sor.u32 $0x40, s14;
	s14 =	sor.u32 $0x8000, s31  }
.LBB1_3:
0x22: {  	v0 =	vmov s15;
	_ =	sdelay $0x3  }
0x23: {  	s18 =	simm.s32 $0x0  }
0x24: {  	v6 =	vld.idx.msk [tilespmem:v0+s18+$0x30 ss:$0x1], $0xffff  }
0x25: {  	v7 =	vld.idx.msk [tilespmem:v0+s18+$0xFFFFFFC0 ss:$0x1], $0xffff  }
0x26: {  	v5 =	vld.idx.msk [tilespmem:v0+s18+$0xFFFFFFD0 ss:$0x1], $0xffff  }
0x27: {  	v4 =	vld.idx.msk [tilespmem:v0+s18+$0xFFFFFFE0 ss:$0x1], $0xffff  }
0x28: {  	v3 =	vld.idx.msk [tilespmem:v0+s18+$0xFFFFFFF0 ss:$0x1], $0xffff  }
0x29: {  	v1 =	vld.idx.msk [tilespmem:v0+s18+$0x0 ss:$0x1], $0xffff  }
0x2a: {  	v2 =	vld.idx.msk [tilespmem:v0+s18+$0x10 ss:$0x1], $0xffff;
	[tilespmem:s13+$0x30] =	vst v6  }
0x2b: {  	s17 =	simm.s32 $0x80;
	s19 =	simm.s32 $0x400;
	[tilespmem:s13+$0xFFFFFFC0] =	vst v7;
	v6 =	vld.idx.msk [tilespmem:v0+s18+$0x20 ss:$0x1], $0xffff;
	s18 =	smov.u32 s13  }
.LBB1_4:
0x2c: {  	p1 =	sne.s32 s19, $0xE00;
	v7 =	vld.idx.msk [tilespmem:v0+s17+$0x30 ss:$0x1], $0xffff;
	[tilespmem:s18+$0xFFFFFFD0] =	vst v5  }
0x2d: {  	v8 =	vld.idx.msk [tilespmem:v0+s17+$0xFFFFFFC0 ss:$0x1], $0xffff;
	[tilespmem:s18+$0xFFFFFFE0] =	vst v4  }
0x2e: {  	v5 =	vld.idx.msk [tilespmem:v0+s17+$0xFFFFFFD0 ss:$0x1], $0xffff;
	[tilespmem:s18+$0xFFFFFFF0] =	vst v3  }
.Ltmp3:
0x2f: {  	v4 =	vld.idx.msk [tilespmem:v0+s17+$0xFFFFFFE0 ss:$0x1], $0xffff;
	[tilespmem:s18+$0x0] =	vst v1;
	(pc) =	sbr.rel @p1 .LBB1_4-.Ltmp3, $4  }
0x30: {  	v3 =	vld.idx.msk [tilespmem:v0+s17+$0xFFFFFFF0 ss:$0x1], $0xffff;
	[tilespmem:s18+$0x10] =	vst v2  }
0x31: {  	v1 =	vld.idx.msk [tilespmem:v0+s17+$0x0 ss:$0x1], $0xffff;
	[tilespmem:s18+$0x20] =	vst v6;
	s18 =	sadd.s32 $0x800, s18  }
0x32: {  	v2 =	vld.idx.msk [tilespmem:v0+s17+$0x10 ss:$0x1], $0xffff;
	[tilespmem:s18+$0x30] =	vst v7  }
0x33: {  	[tilespmem:s18+$0xFFFFFFC0] =	vst v8;
	v6 =	vld.idx.msk [tilespmem:v0+s17+$0x20 ss:$0x1], $0xffff;
	s17 =	sshra.s32 s19, $0x2;
	s19 =	sadd.s32 $0x200, s19  }
0x34: {  	_ =	sdelay $0x2  }
0x35: {  	[tilespmem:s18+$0xFFFFFFD0] =	vst v5  }
0x36: {  	v56 =	vld.idx.msk [tilespmem:v0+s17+$0x30 ss:$0x1], $0xffff;
	[tilespmem:s18+$0xFFFFFFE0] =	vst v4  }
0x37: {  	v57 =	vld.idx.msk [tilespmem:v0+s17+$0xFFFFFFC0 ss:$0x1], $0xffff;
	[tilespmem:s18+$0xFFFFFFF0] =	vst v3  }
0x38: {  	v58 =	vld.idx.msk [tilespmem:v0+s17+$0xFFFFFFD0 ss:$0x1], $0xffff;
	[tilespmem:s18+$0x0] =	vst v1  }
0x39: {  	v59 =	vld.idx.msk [tilespmem:v0+s17+$0xFFFFFFE0 ss:$0x1], $0xffff;
	[tilespmem:s18+$0x10] =	vst v2  }
0x3a: {  	v60 =	vld.idx.msk [tilespmem:v0+s17+$0xFFFFFFF0 ss:$0x1], $0xffff;
	s31 =	sadd.s32 $0x800, s18;
	[tilespmem:s18+$0x20] =	vst v6  }
0x3b: {  	v61 =	vld.idx.msk [tilespmem:v0+s17+$0x0 ss:$0x1], $0xffff;
	[tilespmem:s31+$0x30] =	vst v56  }
0x3c: {  	v62 =	vld.idx.msk [tilespmem:v0+s17+$0x10 ss:$0x1], $0xffff;
	s16 =	sadd.s32 $0x1, s16;
	[tilespmem:s31+$0xFFFFFFC0] =	vst v57  }
0x3d: {  	v63 =	vld.idx.msk [tilespmem:v0+s17+$0x20 ss:$0x1], $0xffff;
	p1 =	sne.s32 s16, $0x10;
	[tilespmem:s31+$0xFFFFFFD0] =	vst v58  }
.Ltmp4:
0x3e: {  	[tilespmem:s31+$0xFFFFFFE0] =	vst v59;
	(pc) =	sbr.rel @p1 .LBB1_3-.Ltmp4, $4  }
0x3f: {  	[tilespmem:s31+$0xFFFFFFF0] =	vst v60  }
0x40: {  	[tilespmem:s31+$0x0] =	vst v61  }
0x41: {  	[tilespmem:s31+$0x10] =	vst v62  }
0x42: {  	s13 =	sadd.s32 $0x80, s13;
	s15 =	sadd.s32 $0x400, s15;
	[tilespmem:s31+$0x20] =	vst v63  }
.Ltmp5:
0x43: {  	(pc) =	sbr.rel .LBB1_7-.Ltmp5, $4  }
0x44: {  	s12 =	sshll.u32 s12, $0xC;
	s11 =	sshll.u32 s11, $0x4  }
0x45: {  	s11 =	sand.u32 $0x1F0, s11;
	s12 =	sadd.s32 s3, s12  }
0x46: {  	s11 =	sadd.s32 s11, s12  }
0x47: {  	[hbm4b:s11+s6] =	stream.strided.scatter [tilespmem:s14], [sflag:$0x2], $0x4000, s7, s6, $0x38;
	[tilespmem:$0x10000] =	vst v63  }
.LBB1_8:
0x48: {  	_ =	sfence.sel $0x180000  }
0x49: {  	s2 =	simm.s32 $0x1;
	[bflag:$0x0] =	sbarrier.arrive $0xFFFF  }
0x4a: {  	s31 =	simm.s32 $0x2;
	[sflag:s2] =	ssyncpa.u1 $0x1  }
0x4b: {  	[sflag:s31] =	ssyncpa.u1 $0x1  }
0x4c: {  	p0 =	sne.s32 s1, $0x0;
	_ =	strace $0x90000047  }
0x4d: {  	s0 =	sadd.s32 @!p0 $0x100000, s0;
	[bflag:$0x2] =	sbarrier.arrive $0xFFFF  }
0x4e: {  	[sflag:s0] =	ssyncadd.tile.s32 @!p0 $0x1;
	_ =	shalt  }
.Lfunc_end1:
_tile_overlayer_lowered:
.L_overlay_start_2:
0x4f: {  	(tag) =	ssettag $0x2  }
0x50: {  	s0 =	rddreg [dreg:$0x0];
	s2 =	stileid.u32  }
0x51: {  	s1 =	rddreg [dreg:$0x1];
	p0 =	sne.s32 s2, $0x0  }
0x52: {  	s3 =	rddreg [dreg:$0x2];
	[bflag:$0x3] =	sbarrier.arrive $0xFFFF;
	s2 =	simm.s32 @!p0 $0x1C01  }
0x53: {  	[timem:s3], [sflag:s2] =	dma.local @!p0 [hbm:s0], s1  }
0x54: {  	s0 =	simm.s32 @!p0 $0x1  }
0x55: {  	_ =	swait.ge @!p0 [sflag:s0], s1  }
0x56: {  	s1 =	ssub.s32 @!p0 $0x0, s1;
	[sflag:s0] =	ssyncset.done @!p0 $0x0  }
0x57: {  	[sflag:s0] =	ssyncadd.s32 @!p0 s1  }
0x58: {  	[bflag:$0x3] =	sbarrier.arrive $0xFFFF  }
0x59: {  	_ =	shalt  }

</sc_bundles>
